<compile_context>
chip_gen: v7x
topology: tpu7x:2x2x1
jax: 0.10.2.dev20260603
libtpu: 0.0.44.dev20260713+nightly
codegen_flags: <defaults>
</compile_context>

<pallas_src>
import dataclasses
import functools

import jax
import jax.numpy as jnp
from jax import lax
from jax.experimental import pallas as pl
from jax.experimental.pallas import tpu as pltpu
from jax.experimental.pallas import tpu_sc as plsc



def _tc_deint_body(pos_ref, px_ref, py_ref):
  r = px_ref.shape[0]
  pv = pos_ref[...]
  px_ref[...] = pv[:, 0].reshape(r, 128)
  py_ref[...] = pv[:, 1].reshape(r, 128)


def _tc_deint(pos, block_rows=10240):
  n = pos.shape[0]
  bt = block_rows
  assert n % bt == 0 and bt % 1024 == 0
  r = bt // 128
  outs = pl.pallas_call(
      _tc_deint_body,
      grid=(n // bt,),
      in_specs=[
          pl.BlockSpec((bt, 2), lambda i: (i, 0)),
      ],
      out_specs=[pl.BlockSpec((r, 128), lambda i: (i, 0))] * 2,
      out_shape=[jax.ShapeDtypeStruct((n // 128, 128), jnp.float32)] * 2,
  )(pos)
  return tuple(o.reshape(n) for o in outs)



def _sc_center_kernel(n_members, n_seg, seg_per_worker, tile, n_workers,
                      interpret=False):
  gp = seg_per_worker
  gpad = n_workers * gp
  t = tile
  assert n_members % t == 0 and t % 16 == 0 and gp % 16 == 0

  mesh = plsc.VectorSubcoreMesh(core_axis_name="c", subcore_axis_name="s",
                                num_cores=2, num_subcores=16)
  ns = 16
  cp = pltpu.CompilerParams()
  if "needs_layout_passes" in pltpu.CompilerParams.__dataclass_fields__:
    cp = dataclasses.replace(cp, needs_layout_passes=False)

  @functools.partial(
      pl.kernel,
      out_type=jax.ShapeDtypeStruct((2 * gpad,), jnp.float32),
      mesh=mesh,
      scratch_types=[
          pltpu.VMEM((2 * n_workers + 16,), jnp.int32),
          pltpu.VMEM((t + 32,), jnp.int32),
          pltpu.VMEM((t,), jnp.float32),
          pltpu.VMEM((t,), jnp.float32),
          pltpu.VMEM((t,), jnp.float32),
          pltpu.VMEM((t + 32,), jnp.int32),
          pltpu.VMEM((t,), jnp.float32),
          pltpu.VMEM((t,), jnp.float32),
          pltpu.VMEM((t,), jnp.float32),
          pltpu.VMEM((gp,), jnp.float32),
          pltpu.VMEM((gp,), jnp.float32),
          pltpu.VMEM((gp,), jnp.float32),
          pltpu.SemaphoreType.DMA,
          pltpu.SemaphoreType.DMA,
          pltpu.SemaphoreType.DMA,
          pltpu.SemaphoreType.DMA,
          pltpu.SemaphoreType.DMA,
          pltpu.SemaphoreType.DMA,
          pltpu.SemaphoreType.DMA,
          pltpu.SemaphoreType.DMA,
      ],
      compiler_params=cp,
      interpret=interpret,
  )
  def center_kernel(lm_hbm, px_hbm, py_hbm, idx_hbm, bounds_hbm, out_hbm,
                    bnd_s, idx_a, e_a, x_a, y_a, idx_b, e_b, x_b, y_b,
                    tab_e, tab_x, tab_y,
                    sia, sea, sxa, sya, sib, seb, sxb, syb):
    w = lax.axis_index("c") * ns + lax.axis_index("s")
    pltpu.sync_copy(bounds_hbm, bnd_s.at[pl.ds(0, 2 * n_workers)])
    tlo = bnd_s[pl.ds(w, 16)][0]
    thi = bnd_s[pl.ds(n_workers + w, 16)][0]
    segbase = w * gp

    iota = lax.iota(jnp.int32, 16)
    zero16 = jnp.zeros((16,), jnp.float32)
    lane15 = iota == 15
    notl15 = iota != 15
    pad_val = jnp.full((16,), -(2 ** 30), jnp.int32)

    @pl.loop(0, gp, step=16)
    def _(j):
      tab_e[pl.ds(j, 16)] = zero16
      tab_x[pl.ds(j, 16)] = zero16
      tab_y[pl.ds(j, 16)] = zero16

    for ib in (idx_a, idx_b):
      ib[pl.ds(0, 16)] = pad_val
      ib[pl.ds(16 + t, 16)] = pad_val

    def _copies(ti, idx_buf, e_buf, x_buf, y_buf, si, se, sx, sy):
      m0 = ti * t
      return (
          (idx_hbm.at[pl.ds(m0, t)], idx_buf.at[pl.ds(16, t)], si),
          (lm_hbm.at[pl.ds(m0, t)], e_buf, se),
          (px_hbm.at[pl.ds(m0, t)], x_buf, sx),
          (py_hbm.at[pl.ds(m0, t)], y_buf, sy),
      )

    def issue(ti, bufs):
      for src, dst, sem in _copies(ti, *bufs):
        pltpu.async_copy(src, dst, sem)

    def wait(ti, bufs):
      for src, dst, sem in _copies(ti, *bufs):
        pltpu.make_async_copy(src, dst, sem).wait()

    def compute(bufs):
      idx_buf, e_buf, x_buf, y_buf = bufs[:4]

      @plsc.parallel_loop(0, t, 16, unroll=2)
      def _(v):
        idxv = idx_buf[pl.ds(16 + v, 16)]
        idxn = idx_buf[pl.ds(17 + v, 16)]
        e = jnp.exp(e_buf[pl.ds(v, 16)])
        wx = e * x_buf[pl.ds(v, 16)]
        wy = e * y_buf[pl.ds(v, 16)]
        cse = plsc.cumsum(e)
        csx = plsc.cumsum(wx)
        csy = plsc.cumsum(wy)
        lidx = idxv - segbase
        lidxn = idxn - segbase
        inr = (lidx >= 0) & (lidx < gp)
        inrn = (lidxn >= 0) & (lidxn < gp)
        bnd = idxv != idxn
        em = (bnd | lane15) & inr
        em2 = bnd & notl15 & inrn
        plsc.addupdate_scatter(tab_e, [lidx], cse, mask=em)
        plsc.addupdate_scatter(tab_x, [lidx], csx, mask=em)
        plsc.addupdate_scatter(tab_y, [lidx], csy, mask=em)
        plsc.addupdate_scatter(tab_e, [lidxn], -cse, mask=em2)
        plsc.addupdate_scatter(tab_x, [lidxn], -csx, mask=em2)
        plsc.addupdate_scatter(tab_y, [lidxn], -csy, mask=em2)

    bufs_a = (idx_a, e_a, x_a, y_a, sia, sea, sxa, sya)
    bufs_b = (idx_b, e_b, x_b, y_b, sib, seb, sxb, syb)

    @pl.when(tlo < thi)
    def _():
      issue(tlo, bufs_a)

    @pl.loop(tlo, thi, step=2)
    def _(ti):
      @pl.when(ti + 1 < thi)
      def _():
        issue(ti + 1, bufs_b)
      wait(ti, bufs_a)
      compute(bufs_a)

      @pl.when(ti + 2 < thi)
      def _():
        issue(ti + 2, bufs_a)

      @pl.when(ti + 1 < thi)
      def _():
        wait(ti + 1, bufs_b)
        compute(bufs_b)

    @pl.loop(0, gp, step=16)
    def _(j):
      ve = tab_e[pl.ds(j, 16)]
      nz = ve != 0.0
      inv = jnp.where(nz, 1.0, 0.0) / jnp.where(nz, ve, 1.0)
      tab_x[pl.ds(j, 16)] = tab_x[pl.ds(j, 16)] * inv
      tab_y[pl.ds(j, 16)] = tab_y[pl.ds(j, 16)] * inv

    pltpu.sync_copy(tab_x, out_hbm.at[pl.ds(segbase, gp)])
    pltpu.sync_copy(tab_y, out_hbm.at[pl.ds(gpad + segbase, gp)])

  return center_kernel


def _segment_centers(lm, px, py, idx, n_seg, interpret=False, tile=6400):
  n_members = idx.shape[0]
  n_workers = 32
  gp = (-(-n_seg // n_workers) + 15) // 16 * 16
  edges = (jnp.arange(n_workers + 1, dtype=jnp.int32) * gp).astype(idx.dtype)
  starts = jnp.searchsorted(idx, edges).astype(jnp.int32)
  tlo = starts[:-1] // tile
  thi = (starts[1:] + tile - 1) // tile
  bounds = jnp.concatenate([tlo, thi])
  out = _sc_center_kernel(n_members, n_seg, gp, tile, n_workers,
                          interpret=interpret)(lm, px, py, idx, bounds)
  gpad = n_workers * gp
  return jnp.stack([out[:n_seg], out[gpad:gpad + n_seg]], axis=1)



def _tc_head_body(f_ref, w_ref, noise_ref, scal_ref, lp_ref, lz_ref):
  s = jnp.sum(f_ref[...] * w_ref[...], axis=1, keepdims=True)
  b = scal_ref[0, 0]
  inv_t = scal_ref[0, 1]
  lp = 8.8 * jnp.tanh(s + b)
  lp_ref[...] = lp
  relaxed = (lp + noise_ref[...]) * inv_t
  lz_ref[...] = jax.nn.log_sigmoid(relaxed)


def _dense_head(feature, w_row, noise, b, inv_t, block_rows):
  g, d = feature.shape
  assert g % block_rows == 0
  scal = jnp.stack([b.reshape(()).astype(jnp.float32),
                    jnp.asarray(inv_t, jnp.float32).reshape(())]).reshape(1, 2)
  grid = (g // block_rows,)
  lp, lz = pl.pallas_call(
      _tc_head_body,
      grid=grid,
      in_specs=[
          pl.BlockSpec((block_rows, d), lambda i: (i, 0)),
          pl.BlockSpec((1, d), lambda i: (0, 0)),
          pl.BlockSpec((block_rows, 1), lambda i: (i, 0)),
          pl.BlockSpec((1, 2), lambda i: (0, 0)),
      ],
      out_specs=[
          pl.BlockSpec((block_rows, 1), lambda i: (i, 0)),
          pl.BlockSpec((block_rows, 1), lambda i: (i, 0)),
      ],
      out_shape=[jax.ShapeDtypeStruct((g, 1), jnp.float32)] * 2,
  )(feature, w_row.reshape(1, d).astype(jnp.float32),
    noise.reshape(g, 1), scal)
  return lp[:, 0], lz[:, 0]



def kernel(glimpse__feature, glimpse_member__local_pos,
           glimpse_member__log_mask, glimpse_member__glimpse_index,
           temperature, W, b):
  g = glimpse__feature.shape[0]
  idx = glimpse_member__glimpse_index.astype(jnp.int32)

  lm_flat = glimpse_member__log_mask.reshape(-1)
  px, py = _tc_deint(glimpse_member__local_pos)
  member_center = _segment_centers(lm_flat, px, py, idx, g)

  u = jax.random.uniform(jax.random.key(42), (g,), minval=1e-6,
                         maxval=1.0 - 1e-6)
  noise = jnp.log(u) - jnp.log1p(-u)
  inv_t = 1.0 / jnp.asarray(temperature).astype(jnp.float32)
  logit_pres, log_z_pres = _dense_head(glimpse__feature, W, noise, b, inv_t,
                                       block_rows=4000)

  return (log_z_pres, logit_pres, member_center)

# --- scband reference (transcript-rebuilt; emitter-appended) ---
"""Pipeline reference for scband-spairglimpse-zpres-mlp-15470472200210 (READ-ONLY COPY).

The authoritative reference and input builder live on the scoring server;
editing this copy changes nothing except your own understanding.
"""

import jax, jax.numpy as jnp
import numpy as np

G = 100000
N = 6400000


def setup_inputs(seed: int = 0) -> dict:
    key = jax.random.key(seed)
    k1, k2, k3, k4, k5 = jax.random.split(key, 5)
    glimpse__feature = jax.random.normal(k1, (G, 256), dtype=jnp.float32)
    glimpse_member__local_pos = jax.random.normal(k2, (N, 2), dtype=jnp.float32)
    glimpse_member__log_mask = jax.random.normal(k3, (N, 1), dtype=jnp.float32)
    glimpse_member__glimpse_index = jnp.sort(jax.random.randint(k4, (N,), 0, G, dtype=jnp.int64) if jax.config.jax_enable_x64 else jax.random.randint(k4, (N,), 0, G).astype(jnp.int32))
    W = jax.random.normal(k5, (1, 256), dtype=jnp.float32) * 0.05
    b = jnp.zeros((1,), dtype=jnp.float32)
    return {
        'glimpse__feature': glimpse__feature,
        'glimpse_member__local_pos': glimpse_member__local_pos,
        'glimpse_member__log_mask': glimpse_member__log_mask,
        'glimpse_member__glimpse_index': glimpse_member__glimpse_index,
        'temperature': 1,
        'W': W,
        'b': b,
    }


def _segment_log_softmax(log_mask, idx, num_segments):
    # scatter_log_softmax over dim=0 grouped by idx
    m = jax.ops.segment_max(log_mask, idx, num_segments=num_segments)
    m = jnp.where(jnp.isfinite(m), m, 0.0)
    m = jax.lax.stop_gradient(m)
    shifted = log_mask - m[idx]
    denom = jnp.log(jax.ops.segment_sum(jnp.exp(shifted), idx, num_segments=num_segments))
    return shifted - denom[idx]


def reference(glimpse__feature, glimpse_member__local_pos, glimpse_member__log_mask, glimpse_member__glimpse_index, temperature, W, b):
    num_glimpses = glimpse__feature.shape[0]
    idx = glimpse_member__glimpse_index

    log_sm = _segment_log_softmax(glimpse_member__log_mask, idx, num_glimpses)
    normalized_mask = jnp.exp(log_sm)  # [N, 1]
    weighted_pos = glimpse_member__local_pos * normalized_mask  # [N, 2]
    member_center = jax.ops.segment_sum(weighted_pos, idx, num_segments=num_glimpses)  # [G, 2]

    logit_pres = (glimpse__feature @ W.T + b)[:, 0]  # [G]
    logit_pres = 8.8 * jnp.tanh(logit_pres)

    # LogitRelaxedBernoulli rsample: (logits + logistic_noise) / temperature
    u = jax.random.uniform(jax.random.key(42), logit_pres.shape, minval=1e-6, maxval=1.0 - 1e-6)
    logistic_noise = jnp.log(u) - jnp.log1p(-u)
    relaxed_sample = (logit_pres + logistic_noise) / jnp.asarray(temperature).astype(jnp.float32)
    log_z_pres = jax.nn.log_sigmoid(relaxed_sample)

    # Bernoulli posterior represented by its logits (logit_pres)
    return (log_z_pres, logit_pres, member_center)

if __name__ == "__main__":
    import jax
    _d = setup_inputs()
    print(jax.jit(kernel)(*tuple(_d.values())))

</pallas_src>

<mosaic_0001>
#map = affine_map<(d0, d1) -> (0)>
module attributes {stable_mosaic.version = 14 : i64} {
  func.func @center_kernel(%arg0: i32, %arg1: i32, %arg2: memref<6400000xf32, #tpu.memory_space<hbm>>, %arg3: memref<6400000xf32, #tpu.memory_space<hbm>>, %arg4: memref<6400000xf32, #tpu.memory_space<hbm>>, %arg5: memref<6400000xi32, #tpu.memory_space<hbm>>, %arg6: memref<64xi32, #tpu.memory_space<hbm>>, %arg7: memref<200704xf32, #tpu.memory_space<hbm>>, %arg8: memref<80xi32, #tpu.memory_space<vmem>>, %arg9: memref<6432xi32, #tpu.memory_space<vmem>>, %arg10: memref<6400xf32, #tpu.memory_space<vmem>>, %arg11: memref<6400xf32, #tpu.memory_space<vmem>>, %arg12: memref<6400xf32, #tpu.memory_space<vmem>>, %arg13: memref<6432xi32, #tpu.memory_space<vmem>>, %arg14: memref<6400xf32, #tpu.memory_space<vmem>>, %arg15: memref<6400xf32, #tpu.memory_space<vmem>>, %arg16: memref<6400xf32, #tpu.memory_space<vmem>>, %arg17: memref<3136xf32, #tpu.memory_space<vmem>>, %arg18: memref<3136xf32, #tpu.memory_space<vmem>>, %arg19: memref<3136xf32, #tpu.memory_space<vmem>>, %arg20: memref<!tpu.dma_semaphore, #tpu.memory_space<semaphore_mem>>, %arg21: memref<!tpu.dma_semaphore, #tpu.memory_space<semaphore_mem>>, %arg22: memref<!tpu.dma_semaphore, #tpu.memory_space<semaphore_mem>>, %arg23: memref<!tpu.dma_semaphore, #tpu.memory_space<semaphore_mem>>, %arg24: memref<!tpu.dma_semaphore, #tpu.memory_space<semaphore_mem>>, %arg25: memref<!tpu.dma_semaphore, #tpu.memory_space<semaphore_mem>>, %arg26: memref<!tpu.dma_semaphore, #tpu.memory_space<semaphore_mem>>, %arg27: memref<!tpu.dma_semaphore, #tpu.memory_space<semaphore_mem>>) attributes {dimension_semantics = [#tpu.dimension_semantics<core_parallel>, #tpu.dimension_semantics<subcore_parallel>], iteration_bounds = array<i64: 2, 16>, scalar_prefetch = 0 : i64, scratch_operands = 20 : i64, tpu.core_type = #tpu.core_type<sc_vector_subcore>, window_params = [{transform_indices = #map}, {transform_indices = #map}, {transform_indices = #map}, {transform_indices = #map}, {transform_indices = #map}, {transform_indices = #map}]} {
    %mul3A = arith.constant 16 : i32
    %mul3A_0 = arith.muli %arg0, %mul3A : i32
    %add3A = arith.addi %mul3A_0, %arg1 : i32
    "tpu.region"() ({
      %run_scoped3A = tpu.sem_alloc : memref<!tpu.dma_semaphore, #tpu.memory_space<semaphore_mem>>
      %dma_start3A = arith.constant 0 : i32
      %dma_start3A_50 = tpu.memref_slice %arg8[%dma_start3A] : memref<80xi32, #tpu.memory_space<vmem>> -> memref<64xi32, #tpu.memory_space<vmem>>
      %dma_start3A_51 = arith.constant 0 : i32
      %dma_start3A_52 = tpu.memref_slice %arg8[%dma_start3A_51] : memref<80xi32, #tpu.memory_space<vmem>> -> memref<64xi32, #tpu.memory_space<vmem>>
      tpu.enqueue_dma source(%arg6 : memref<64xi32, #tpu.memory_space<hbm>>) target(%dma_start3A_52 : memref<64xi32, #tpu.memory_space<vmem>>) target_semaphore(%run_scoped3A : memref<!tpu.dma_semaphore, #tpu.memory_space<semaphore_mem>>)
      %dma_wait3A = arith.constant 0 : i32
      %dma_wait3A_53 = tpu.memref_slice %arg8[%dma_wait3A] : memref<80xi32, #tpu.memory_space<vmem>> -> memref<64xi32, #tpu.memory_space<vmem>>
      %dma_wait3A_54 = arith.constant 0 : i32
      %dma_wait3A_55 = tpu.memref_slice %arg8[%dma_wait3A_54] : memref<80xi32, #tpu.memory_space<vmem>> -> memref<64xi32, #tpu.memory_space<vmem>>
      tpu.wait_dma2 semaphore(%run_scoped3A : memref<!tpu.dma_semaphore, #tpu.memory_space<semaphore_mem>>) src(%arg6 : memref<64xi32, #tpu.memory_space<hbm>>) dst(%dma_wait3A_55 : memref<64xi32, #tpu.memory_space<vmem>>)
      tpu.yield
    }) : () -> ()
    %get3A = arith.index_cast %add3A : i32 to index
    %get3A_1 = tpu.vector_load %arg8[%get3A] {strides = array<i32>} : memref<80xi32, #tpu.memory_space<vmem>>, vector<16xi32>,
    %slice3A = vector.extract_strided_slice %get3A_1 {offsets = [0], sizes = [1], strides = [1]} : vector<16xi32> to vector<1xi32>
    %squeeze3A = vector.extract %slice3A[0] : i32 from vector<1xi32>
    %add3A_2 = arith.constant 32 : i32
    %add3A_3 = arith.addi %add3A_2, %add3A : i32
    %get3A_4 = arith.index_cast %add3A_3 : i32 to index
    %get3A_5 = tpu.vector_load %arg8[%get3A_4] {strides = array<i32>} : memref<80xi32, #tpu.memory_space<vmem>>, vector<16xi32>,
    %slice3A_6 = vector.extract_strided_slice %get3A_5 {offsets = [0], sizes = [1], strides = [1]} : vector<16xi32> to vector<1xi32>
    %squeeze3A_7 = vector.extract %slice3A_6[0] : i32 from vector<1xi32>
    %mul3A_8 = arith.constant 3136 : i32
    %mul3A_9 = arith.muli %add3A, %mul3A_8 : i32
    %iota3A = tpu.iota {dimensions = array<i32: 0>} : vector<16xi32>
    %broadcast_in_dim3A = arith.constant 0.000000e+00 : f32
    %broadcast_in_dim3A_10 = vector.broadcast %broadcast_in_dim3A : f32 to vector<16xf32>
    %eq3A = arith.constant 15 : i32
    %eq3A_11 = vector.broadcast %eq3A : i32 to vector<16xi32>
    %eq3A_12 = arith.cmpi eq, %iota3A, %eq3A_11 : vector<16xi32>
    %ne3A = arith.constant 15 : i32
    %ne3A_13 = vector.broadcast %ne3A : i32 to vector<16xi32>
    %ne3A_14 = arith.cmpi ne, %iota3A, %ne3A_13 : vector<16xi32>
    %broadcast_in_dim3A_15 = arith.constant -1073741824 : i32
    %broadcast_in_dim3A_16 = vector.broadcast %broadcast_in_dim3A_15 : i32 to vector<16xi32>
    %scan3A = arith.constant 0 : i32
    %scan3A_17 = arith.constant 196 : i32
    %scan3A_18 = arith.addi %scan3A, %scan3A_17 : i32
    %scan3A_19 = arith.constant 1 : i32
    scf.for %scan3A_50 = %scan3A to %scan3A_18 step %scan3A_19  : i32 {
      %mul3A_51 = arith.constant 16 : i32
      %mul3A_52 = arith.muli %scan3A_50, %mul3A_51 : i32
      %add3A_53 = arith.constant 0 : i32
      %add3A_54 = arith.addi %add3A_53, %mul3A_52 : i32
      %swap3A_55 = arith.index_cast %add3A_54 : i32 to index
      %swap3A_56 = tpu.vector_load %arg17[%swap3A_55] {strides = array<i32>} : memref<3136xf32, #tpu.memory_space<vmem>>, vector<16xf32>,
      tpu.vector_store %arg17[%swap3A_55], %broadcast_in_dim3A_10 {strides = array<i32>} : memref<3136xf32, #tpu.memory_space<vmem>>, vector<16xf32>,
      %swap3A_57 = arith.index_cast %add3A_54 : i32 to index
      %swap3A_58 = tpu.vector_load %arg18[%swap3A_57] {strides = array<i32>} : memref<3136xf32, #tpu.memory_space<vmem>>, vector<16xf32>,
      tpu.vector_store %arg18[%swap3A_57], %broadcast_in_dim3A_10 {strides = array<i32>} : memref<3136xf32, #tpu.memory_space<vmem>>, vector<16xf32>,
      %swap3A_59 = arith.index_cast %add3A_54 : i32 to index
      %swap3A_60 = tpu.vector_load %arg19[%swap3A_59] {strides = array<i32>} : memref<3136xf32, #tpu.memory_space<vmem>>, vector<16xf32>,
      tpu.vector_store %arg19[%swap3A_59], %broadcast_in_dim3A_10 {strides = array<i32>} : memref<3136xf32, #tpu.memory_space<vmem>>, vector<16xf32>,
    }
    %scan3A_20 = arith.constant 196 : i32
    %swap3A = arith.constant 0 : index
    %swap3A_21 = tpu.vector_load %arg9[%swap3A] {strides = array<i32>} : memref<6432xi32, #tpu.memory_space<vmem>>, vector<16xi32>,
    tpu.vector_store %arg9[%swap3A], %broadcast_in_dim3A_16 {strides = array<i32>} : memref<6432xi32, #tpu.memory_space<vmem>>, vector<16xi32>,
    %swap3A_22 = arith.constant 6416 : index
    %swap3A_23 = tpu.vector_load %arg9[%swap3A_22] {strides = array<i32>} : memref<6432xi32, #tpu.memory_space<vmem>>, vector<16xi32>,
    tpu.vector_store %arg9[%swap3A_22], %broadcast_in_dim3A_16 {strides = array<i32>} : memref<6432xi32, #tpu.memory_space<vmem>>, vector<16xi32>,
    %swap3A_24 = arith.constant 0 : index
    %swap3A_25 = tpu.vector_load %arg13[%swap3A_24] {strides = array<i32>} : memref<6432xi32, #tpu.memory_space<vmem>>, vector<16xi32>,
    tpu.vector_store %arg13[%swap3A_24], %broadcast_in_dim3A_16 {strides = array<i32>} : memref<6432xi32, #tpu.memory_space<vmem>>, vector<16xi32>,
    %swap3A_26 = arith.constant 6416 : index
    %swap3A_27 = tpu.vector_load %arg13[%swap3A_26] {strides = array<i32>} : memref<6432xi32, #tpu.memory_space<vmem>>, vector<16xi32>,
    tpu.vector_store %arg13[%swap3A_26], %broadcast_in_dim3A_16 {strides = array<i32>} : memref<6432xi32, #tpu.memory_space<vmem>>, vector<16xi32>,
    %lt3A = arith.cmpi slt, %squeeze3A, %squeeze3A_7 : i32
    %convert_element_type3A = arith.extui %lt3A : i1 to i32
    %cond3A = arith.constant 0 : i32
    %cond3A_28 = arith.cmpi ne, %convert_element_type3A, %cond3A : i32
    scf.if %cond3A_28 {
      %mul3A_50 = arith.constant 6400 : i32
      %mul3A_51 = arith.muli %squeeze3A, %mul3A_50 : i32
      %dma_start3A = arith.constant 16 : i32
      %dma_start3A_52 = tpu.memref_slice %arg9[%dma_start3A] : memref<6432xi32, #tpu.memory_space<vmem>> -> memref<6400xi32, #tpu.memory_space<vmem>>
      %dma_start3A_53 = tpu.memref_slice %arg5[%mul3A_51] : memref<6400000xi32, #tpu.memory_space<hbm>> -> memref<6400xi32, #tpu.memory_space<hbm>>
      %dma_start3A_54 = arith.constant 16 : i32
      %dma_start3A_55 = tpu.memref_slice %arg9[%dma_start3A_54] : memref<6432xi32, #tpu.memory_space<vmem>> -> memref<6400xi32, #tpu.memory_space<vmem>>
      %dma_start3A_56 = tpu.memref_slice %arg5[%mul3A_51] : memref<6400000xi32, #tpu.memory_space<hbm>> -> memref<6400xi32, #tpu.memory_space<hbm>>
      tpu.enqueue_dma source(%dma_start3A_56 : memref<6400xi32, #tpu.memory_space<hbm>>) target(%dma_start3A_55 : memref<6400xi32, #tpu.memory_space<vmem>>) target_semaphore(%arg20 : memref<!tpu.dma_semaphore, #tpu.memory_space<semaphore_mem>>)
      %dma_start3A_57 = tpu.memref_slice %arg2[%mul3A_51] : memref<6400000xf32, #tpu.memory_space<hbm>> -> memref<6400xf32, #tpu.memory_space<hbm>>
      %dma_start3A_58 = tpu.memref_slice %arg2[%mul3A_51] : memref<6400000xf32, #tpu.memory_space<hbm>> -> memref<6400xf32, #tpu.memory_space<hbm>>
      tpu.enqueue_dma source(%dma_start3A_58 : memref<6400xf32, #tpu.memory_space<hbm>>) target(%arg10 : memref<6400xf32, #tpu.memory_space<vmem>>) target_semaphore(%arg21 : memref<!tpu.dma_semaphore, #tpu.memory_space<semaphore_mem>>)
      %dma_start3A_59 = tpu.memref_slice %arg3[%mul3A_51] : memref<6400000xf32, #tpu.memory_space<hbm>> -> memref<6400xf32, #tpu.memory_space<hbm>>
      %dma_start3A_60 = tpu.memref_slice %arg3[%mul3A_51] : memref<6400000xf32, #tpu.memory_space<hbm>> -> memref<6400xf32, #tpu.memory_space<hbm>>
      tpu.enqueue_dma source(%dma_start3A_60 : memref<6400xf32, #tpu.memory_space<hbm>>) target(%arg11 : memref<6400xf32, #tpu.memory_space<vmem>>) target_semaphore(%arg22 : memref<!tpu.dma_semaphore, #tpu.memory_space<semaphore_mem>>)
      %dma_start3A_61 = tpu.memref_slice %arg4[%mul3A_51] : memref<6400000xf32, #tpu.memory_space<hbm>> -> memref<6400xf32, #tpu.memory_space<hbm>>
      %dma_start3A_62 = tpu.memref_slice %arg4[%mul3A_51] : memref<6400000xf32, #tpu.memory_space<hbm>> -> memref<6400xf32, #tpu.memory_space<hbm>>
      tpu.enqueue_dma source(%dma_start3A_62 : memref<6400xf32, #tpu.memory_space<hbm>>) target(%arg12 : memref<6400xf32, #tpu.memory_space<vmem>>) target_semaphore(%arg23 : memref<!tpu.dma_semaphore, #tpu.memory_space<semaphore_mem>>)
    } else {
    }
    %sub3A = arith.subi %squeeze3A_7, %squeeze3A : i32
    %sub3A_29 = arith.constant 2 : i32
    %sub3A_30 = arith.constant 1 : i32
    %sub3A_31 = arith.subi %sub3A_29, %sub3A_30 : i32
    %add3A_32 = arith.addi %sub3A, %sub3A_31 : i32
    %div3A = arith.constant 2 : i32
    %div3A_33 = arith.divsi %add3A_32, %div3A : i32
    %while3A = arith.constant 2 : i32
    %while3A_34 = arith.constant 0 : i32
    %while3A_35 = arith.subi %div3A_33, %while3A_34 : i32
    %while3A_36 = arith.addi %while3A_34, %while3A_35 : i32
    %while3A_37 = arith.constant 1 : i32
    %while3A_38 = arith.divsi %while3A_35, %while3A_37 : i32
    %while3A_39 = arith.muli %while3A_38, %while3A_37 : i32
    %while3A_40 = arith.addi %while3A_34, %while3A_39 : i32
    %while3A_41 = arith.constant 1 : i32
    scf.for %while3A_50 = %while3A_34 to %while3A_40 step %while3A_41  : i32 {
      %mul3A_51 = arith.muli %while3A_50, %while3A : i32
      %add3A_52 = arith.addi %squeeze3A, %mul3A_51 : i32
      %add3A_53 = arith.constant 1 : i32
      %add3A_54 = arith.addi %add3A_52, %add3A_53 : i32
      %lt3A_55 = arith.cmpi slt, %add3A_54, %squeeze3A_7 : i32
      %convert_element_type3A_56 = arith.extui %lt3A_55 : i1 to i32
      %cond3A_57 = arith.constant 0 : i32
      %cond3A_58 = arith.cmpi ne, %convert_element_type3A_56, %cond3A_57 : i32
      scf.if %cond3A_58 {
        %add3A_86 = arith.constant 1 : i32
        %add3A_87 = arith.addi %add3A_52, %add3A_86 : i32
        %mul3A_88 = arith.constant 6400 : i32
        %mul3A_89 = arith.muli %add3A_87, %mul3A_88 : i32
        %dma_start3A = arith.constant 16 : i32
        %dma_start3A_90 = tpu.memref_slice %arg13[%dma_start3A] : memref<6432xi32, #tpu.memory_space<vmem>> -> memref<6400xi32, #tpu.memory_space<vmem>>
        %dma_start3A_91 = tpu.memref_slice %arg5[%mul3A_89] : memref<6400000xi32, #tpu.memory_space<hbm>> -> memref<6400xi32, #tpu.memory_space<hbm>>
        %dma_start3A_92 = arith.constant 16 : i32
        %dma_start3A_93 = tpu.memref_slice %arg13[%dma_start3A_92] : memref<6432xi32, #tpu.memory_space<vmem>> -> memref<6400xi32, #tpu.memory_space<vmem>>
        %dma_start3A_94 = tpu.memref_slice %arg5[%mul3A_89] : memref<6400000xi32, #tpu.memory_space<hbm>> -> memref<6400xi32, #tpu.memory_space<hbm>>
        tpu.enqueue_dma source(%dma_start3A_94 : memref<6400xi32, #tpu.memory_space<hbm>>) target(%dma_start3A_93 : memref<6400xi32, #tpu.memory_space<vmem>>) target_semaphore(%arg24 : memref<!tpu.dma_semaphore, #tpu.memory_space<semaphore_mem>>)
        %dma_start3A_95 = tpu.memref_slice %arg2[%mul3A_89] : memref<6400000xf32, #tpu.memory_space<hbm>> -> memref<6400xf32, #tpu.memory_space<hbm>>
        %dma_start3A_96 = tpu.memref_slice %arg2[%mul3A_89] : memref<6400000xf32, #tpu.memory_space<hbm>> -> memref<6400xf32, #tpu.memory_space<hbm>>
        tpu.enqueue_dma source(%dma_start3A_96 : memref<6400xf32, #tpu.memory_space<hbm>>) target(%arg14 : memref<6400xf32, #tpu.memory_space<vmem>>) target_semaphore(%arg25 : memref<!tpu.dma_semaphore, #tpu.memory_space<semaphore_mem>>)
        %dma_start3A_97 = tpu.memref_slice %arg3[%mul3A_89] : memref<6400000xf32, #tpu.memory_space<hbm>> -> memref<6400xf32, #tpu.memory_space<hbm>>
        %dma_start3A_98 = tpu.memref_slice %arg3[%mul3A_89] : memref<6400000xf32, #tpu.memory_space<hbm>> -> memref<6400xf32, #tpu.memory_space<hbm>>
        tpu.enqueue_dma source(%dma_start3A_98 : memref<6400xf32, #tpu.memory_space<hbm>>) target(%arg15 : memref<6400xf32, #tpu.memory_space<vmem>>) target_semaphore(%arg26 : memref<!tpu.dma_semaphore, #tpu.memory_space<semaphore_mem>>)
        %dma_start3A_99 = tpu.memref_slice %arg4[%mul3A_89] : memref<6400000xf32, #tpu.memory_space<hbm>> -> memref<6400xf32, #tpu.memory_space<hbm>>
        %dma_start3A_100 = tpu.memref_slice %arg4[%mul3A_89] : memref<6400000xf32, #tpu.memory_space<hbm>> -> memref<6400xf32, #tpu.memory_space<hbm>>
        tpu.enqueue_dma source(%dma_start3A_100 : memref<6400xf32, #tpu.memory_space<hbm>>) target(%arg16 : memref<6400xf32, #tpu.memory_space<vmem>>) target_semaphore(%arg27 : memref<!tpu.dma_semaphore, #tpu.memory_space<semaphore_mem>>)
      } else {
      }
      %mul3A_59 = arith.constant 6400 : i32
      %mul3A_60 = arith.muli %add3A_52, %mul3A_59 : i32
      %dma_wait3A = arith.constant 16 : i32
      %dma_wait3A_61 = tpu.memref_slice %arg9[%dma_wait3A] : memref<6432xi32, #tpu.memory_space<vmem>> -> memref<6400xi32, #tpu.memory_space<vmem>>
      %dma_wait3A_62 = tpu.memref_slice %arg5[%mul3A_60] : memref<6400000xi32, #tpu.memory_space<hbm>> -> memref<6400xi32, #tpu.memory_space<hbm>>
      %dma_wait3A_63 = arith.constant 16 : i32
      %dma_wait3A_64 = tpu.memref_slice %arg9[%dma_wait3A_63] : memref<6432xi32, #tpu.memory_space<vmem>> -> memref<6400xi32, #tpu.memory_space<vmem>>
      %dma_wait3A_65 = tpu.memref_slice %arg5[%mul3A_60] : memref<6400000xi32, #tpu.memory_space<hbm>> -> memref<6400xi32, #tpu.memory_space<hbm>>
      tpu.wait_dma2 semaphore(%arg20 : memref<!tpu.dma_semaphore, #tpu.memory_space<semaphore_mem>>) src(%dma_wait3A_65 : memref<6400xi32, #tpu.memory_space<hbm>>) dst(%dma_wait3A_64 : memref<6400xi32, #tpu.memory_space<vmem>>)
      %dma_wait3A_66 = tpu.memref_slice %arg2[%mul3A_60] : memref<6400000xf32, #tpu.memory_space<hbm>> -> memref<6400xf32, #tpu.memory_space<hbm>>
      %dma_wait3A_67 = tpu.memref_slice %arg2[%mul3A_60] : memref<6400000xf32, #tpu.memory_space<hbm>> -> memref<6400xf32, #tpu.memory_space<hbm>>
      tpu.wait_dma2 semaphore(%arg21 : memref<!tpu.dma_semaphore, #tpu.memory_space<semaphore_mem>>) src(%dma_wait3A_67 : memref<6400xf32, #tpu.memory_space<hbm>>) dst(%arg10 : memref<6400xf32, #tpu.memory_space<vmem>>)
      %dma_wait3A_68 = tpu.memref_slice %arg3[%mul3A_60] : memref<6400000xf32, #tpu.memory_space<hbm>> -> memref<6400xf32, #tpu.memory_space<hbm>>
      %dma_wait3A_69 = tpu.memref_slice %arg3[%mul3A_60] : memref<6400000xf32, #tpu.memory_space<hbm>> -> memref<6400xf32, #tpu.memory_space<hbm>>
      tpu.wait_dma2 semaphore(%arg22 : memref<!tpu.dma_semaphore, #tpu.memory_space<semaphore_mem>>) src(%dma_wait3A_69 : memref<6400xf32, #tpu.memory_space<hbm>>) dst(%arg11 : memref<6400xf32, #tpu.memory_space<vmem>>)
      %dma_wait3A_70 = tpu.memref_slice %arg4[%mul3A_60] : memref<6400000xf32, #tpu.memory_space<hbm>> -> memref<6400xf32, #tpu.memory_space<hbm>>
      %dma_wait3A_71 = tpu.memref_slice %arg4[%mul3A_60] : memref<6400000xf32, #tpu.memory_space<hbm>> -> memref<6400xf32, #tpu.memory_space<hbm>>
      tpu.wait_dma2 semaphore(%arg23 : memref<!tpu.dma_semaphore, #tpu.memory_space<semaphore_mem>>) src(%dma_wait3A_71 : memref<6400xf32, #tpu.memory_space<hbm>>) dst(%arg12 : memref<6400xf32, #tpu.memory_space<vmem>>)
      %parallel_loop3A = arith.constant 0 : i32
      %parallel_loop3A_72 = arith.constant 6400 : i32
      %parallel_loop3A_73 = arith.constant 16 : i32
      scf.for %parallel_loop3A_86 = %parallel_loop3A to %parallel_loop3A_72 step %parallel_loop3A_73  : i32 {
        %parallel_loop3A_87 = arith.constant 16 : i32
        %parallel_loop3A_88 = arith.addi %parallel_loop3A_87, %parallel_loop3A_86 : i32
        %parallel_loop3A_89 = arith.index_cast %parallel_loop3A_88 : i32 to index
        %parallel_loop3A_90 = tpu.vector_load %arg9[%parallel_loop3A_89] {strides = array<i32>} : memref<6432xi32, #tpu.memory_space<vmem>>, vector<16xi32>,
        %parallel_loop3A_91 = arith.constant 17 : i32
        %parallel_loop3A_92 = arith.addi %parallel_loop3A_91, %parallel_loop3A_86 : i32
        %parallel_loop3A_93 = arith.index_cast %parallel_loop3A_92 : i32 to index
        %parallel_loop3A_94 = tpu.vector_load %arg9[%parallel_loop3A_93] {strides = array<i32>} : memref<6432xi32, #tpu.memory_space<vmem>>, vector<16xi32>,
        %parallel_loop3A_95 = arith.index_cast %parallel_loop3A_86 : i32 to index
        %parallel_loop3A_96 = tpu.vector_load %arg10[%parallel_loop3A_95] {strides = array<i32>} : memref<6400xf32, #tpu.memory_space<vmem>>, vector<16xf32>,
        %parallel_loop3A_97 = math.exp %parallel_loop3A_96 : vector<16xf32>
        %parallel_loop3A_98 = arith.index_cast %parallel_loop3A_86 : i32 to index
        %parallel_loop3A_99 = tpu.vector_load %arg11[%parallel_loop3A_98] {strides = array<i32>} : memref<6400xf32, #tpu.memory_space<vmem>>, vector<16xf32>,
        %parallel_loop3A_100 = arith.mulf %parallel_loop3A_97, %parallel_loop3A_99 : vector<16xf32>
        %parallel_loop3A_101 = arith.index_cast %parallel_loop3A_86 : i32 to index
        %parallel_loop3A_102 = tpu.vector_load %arg12[%parallel_loop3A_101] {strides = array<i32>} : memref<6400xf32, #tpu.memory_space<vmem>>, vector<16xf32>,
        %parallel_loop3A_103 = arith.mulf %parallel_loop3A_97, %parallel_loop3A_102 : vector<16xf32>
        %parallel_loop3A_104 = arith.constant true
        %parallel_loop3A_105 = vector.broadcast %parallel_loop3A_104 : i1 to vector<16xi1>
        %parallel_loop3A_106 = tpu.scan <sum>, %parallel_loop3A_97 masked %parallel_loop3A_105 : vector<16xf32>, vector<16xi1> -> vector<16xf32>
        %parallel_loop3A_107 = arith.constant true
        %parallel_loop3A_108 = vector.broadcast %parallel_loop3A_107 : i1 to vector<16xi1>
        %parallel_loop3A_109 = tpu.scan <sum>, %parallel_loop3A_100 masked %parallel_loop3A_108 : vector<16xf32>, vector<16xi1> -> vector<16xf32>
        %parallel_loop3A_110 = arith.constant true
        %parallel_loop3A_111 = vector.broadcast %parallel_loop3A_110 : i1 to vector<16xi1>
        %parallel_loop3A_112 = tpu.scan <sum>, %parallel_loop3A_103 masked %parallel_loop3A_111 : vector<16xf32>, vector<16xi1> -> vector<16xf32>
        %parallel_loop3A_113 = vector.broadcast %mul3A_9 : i32 to vector<16xi32>
        %parallel_loop3A_114 = arith.subi %parallel_loop3A_90, %parallel_loop3A_113 : vector<16xi32>
        %parallel_loop3A_115 = vector.broadcast %mul3A_9 : i32 to vector<16xi32>
        %parallel_loop3A_116 = arith.subi %parallel_loop3A_94, %parallel_loop3A_115 : vector<16xi32>
        %parallel_loop3A_117 = arith.constant 0 : i32
        %parallel_loop3A_118 = vector.broadcast %parallel_loop3A_117 : i32 to vector<16xi32>
        %parallel_loop3A_119 = arith.cmpi sge, %parallel_loop3A_114, %parallel_loop3A_118 : vector<16xi32>
        %parallel_loop3A_120 = arith.constant 3136 : i32
        %parallel_loop3A_121 = vector.broadcast %parallel_loop3A_120 : i32 to vector<16xi32>
        %parallel_loop3A_122 = arith.cmpi slt, %parallel_loop3A_114, %parallel_loop3A_121 : vector<16xi32>
        %parallel_loop3A_123 = arith.andi %parallel_loop3A_119, %parallel_loop3A_122 : vector<16xi1>
        %parallel_loop3A_124 = arith.constant 0 : i32
        %parallel_loop3A_125 = vector.broadcast %parallel_loop3A_124 : i32 to vector<16xi32>
        %parallel_loop3A_126 = arith.cmpi sge, %parallel_loop3A_116, %parallel_loop3A_125 : vector<16xi32>
        %parallel_loop3A_127 = arith.constant 3136 : i32
        %parallel_loop3A_128 = vector.broadcast %parallel_loop3A_127 : i32 to vector<16xi32>
        %parallel_loop3A_129 = arith.cmpi slt, %parallel_loop3A_116, %parallel_loop3A_128 : vector<16xi32>
        %parallel_loop3A_130 = arith.andi %parallel_loop3A_126, %parallel_loop3A_129 : vector<16xi1>
        %parallel_loop3A_131 = arith.cmpi ne, %parallel_loop3A_90, %parallel_loop3A_94 : vector<16xi32>
        %parallel_loop3A_132 = arith.ori %parallel_loop3A_131, %eq3A_12 : vector<16xi1>
        %parallel_loop3A_133 = arith.andi %parallel_loop3A_132, %parallel_loop3A_123 : vector<16xi1>
        %parallel_loop3A_134 = arith.andi %parallel_loop3A_131, %ne3A_14 : vector<16xi1>
        %parallel_loop3A_135 = arith.andi %parallel_loop3A_134, %parallel_loop3A_130 : vector<16xi1>
        tpu.vector_store_idx %arg17[%parallel_loop3A_114], %parallel_loop3A_106 masked %parallel_loop3A_133 {add = true} : memref<3136xf32, #tpu.memory_space<vmem>>[vector<16xi32>], vector<16xf32>, vector<16xi1>
        tpu.vector_store_idx %arg18[%parallel_loop3A_114], %parallel_loop3A_109 masked %parallel_loop3A_133 {add = true} : memref<3136xf32, #tpu.memory_space<vmem>>[vector<16xi32>], vector<16xf32>, vector<16xi1>
        tpu.vector_store_idx %arg19[%parallel_loop3A_114], %parallel_loop3A_112 masked %parallel_loop3A_133 {add = true} : memref<3136xf32, #tpu.memory_space<vmem>>[vector<16xi32>], vector<16xf32>, vector<16xi1>
        %parallel_loop3A_136 = arith.constant 0.000000e+00 : f32
        %parallel_loop3A_137 = vector.broadcast %parallel_loop3A_136 : f32 to vector<16xf32>
        %parallel_loop3A_138 = arith.subf %parallel_loop3A_137, %parallel_loop3A_106 : vector<16xf32>
        tpu.vector_store_idx %arg17[%parallel_loop3A_116], %parallel_loop3A_138 masked %parallel_loop3A_135 {add = true} : memref<3136xf32, #tpu.memory_space<vmem>>[vector<16xi32>], vector<16xf32>, vector<16xi1>
        %parallel_loop3A_139 = arith.constant 0.000000e+00 : f32
        %parallel_loop3A_140 = vector.broadcast %parallel_loop3A_139 : f32 to vector<16xf32>
        %parallel_loop3A_141 = arith.subf %parallel_loop3A_140, %parallel_loop3A_109 : vector<16xf32>
        tpu.vector_store_idx %arg18[%parallel_loop3A_116], %parallel_loop3A_141 masked %parallel_loop3A_135 {add = true} : memref<3136xf32, #tpu.memory_space<vmem>>[vector<16xi32>], vector<16xf32>, vector<16xi1>
        %parallel_loop3A_142 = arith.constant 0.000000e+00 : f32
        %parallel_loop3A_143 = vector.broadcast %parallel_loop3A_142 : f32 to vector<16xf32>
        %parallel_loop3A_144 = arith.subf %parallel_loop3A_143, %parallel_loop3A_112 : vector<16xf32>
        tpu.vector_store_idx %arg19[%parallel_loop3A_116], %parallel_loop3A_144 masked %parallel_loop3A_135 {add = true} : memref<3136xf32, #tpu.memory_space<vmem>>[vector<16xi32>], vector<16xf32>, vector<16xi1>
      } {sc.loop_unroll_factor = 2 : i64, sc.parallel_access}
      %add3A_74 = arith.constant 2 : i32
      %add3A_75 = arith.addi %add3A_52, %add3A_74 : i32
      %lt3A_76 = arith.cmpi slt, %add3A_75, %squeeze3A_7 : i32
      %convert_element_type3A_77 = arith.extui %lt3A_76 : i1 to i32
      %cond3A_78 = arith.constant 0 : i32
      %cond3A_79 = arith.cmpi ne, %convert_element_type3A_77, %cond3A_78 : i32
      scf.if %cond3A_79 {
        %add3A_86 = arith.constant 2 : i32
        %add3A_87 = arith.addi %add3A_52, %add3A_86 : i32
        %mul3A_88 = arith.constant 6400 : i32
        %mul3A_89 = arith.muli %add3A_87, %mul3A_88 : i32
        %dma_start3A = arith.constant 16 : i32
        %dma_start3A_90 = tpu.memref_slice %arg9[%dma_start3A] : memref<6432xi32, #tpu.memory_space<vmem>> -> memref<6400xi32, #tpu.memory_space<vmem>>
        %dma_start3A_91 = tpu.memref_slice %arg5[%mul3A_89] : memref<6400000xi32, #tpu.memory_space<hbm>> -> memref<6400xi32, #tpu.memory_space<hbm>>
        %dma_start3A_92 = arith.constant 16 : i32
        %dma_start3A_93 = tpu.memref_slice %arg9[%dma_start3A_92] : memref<6432xi32, #tpu.memory_space<vmem>> -> memref<6400xi32, #tpu.memory_space<vmem>>
        %dma_start3A_94 = tpu.memref_slice %arg5[%mul3A_89] : memref<6400000xi32, #tpu.memory_space<hbm>> -> memref<6400xi32, #tpu.memory_space<hbm>>
        tpu.enqueue_dma source(%dma_start3A_94 : memref<6400xi32, #tpu.memory_space<hbm>>) target(%dma_start3A_93 : memref<6400xi32, #tpu.memory_space<vmem>>) target_semaphore(%arg20 : memref<!tpu.dma_semaphore, #tpu.memory_space<semaphore_mem>>)
        %dma_start3A_95 = tpu.memref_slice %arg2[%mul3A_89] : memref<6400000xf32, #tpu.memory_space<hbm>> -> memref<6400xf32, #tpu.memory_space<hbm>>
        %dma_start3A_96 = tpu.memref_slice %arg2[%mul3A_89] : memref<6400000xf32, #tpu.memory_space<hbm>> -> memref<6400xf32, #tpu.memory_space<hbm>>
        tpu.enqueue_dma source(%dma_start3A_96 : memref<6400xf32, #tpu.memory_space<hbm>>) target(%arg10 : memref<6400xf32, #tpu.memory_space<vmem>>) target_semaphore(%arg21 : memref<!tpu.dma_semaphore, #tpu.memory_space<semaphore_mem>>)
        %dma_start3A_97 = tpu.memref_slice %arg3[%mul3A_89] : memref<6400000xf32, #tpu.memory_space<hbm>> -> memref<6400xf32, #tpu.memory_space<hbm>>
        %dma_start3A_98 = tpu.memref_slice %arg3[%mul3A_89] : memref<6400000xf32, #tpu.memory_space<hbm>> -> memref<6400xf32, #tpu.memory_space<hbm>>
        tpu.enqueue_dma source(%dma_start3A_98 : memref<6400xf32, #tpu.memory_space<hbm>>) target(%arg11 : memref<6400xf32, #tpu.memory_space<vmem>>) target_semaphore(%arg22 : memref<!tpu.dma_semaphore, #tpu.memory_space<semaphore_mem>>)
        %dma_start3A_99 = tpu.memref_slice %arg4[%mul3A_89] : memref<6400000xf32, #tpu.memory_space<hbm>> -> memref<6400xf32, #tpu.memory_space<hbm>>
        %dma_start3A_100 = tpu.memref_slice %arg4[%mul3A_89] : memref<6400000xf32, #tpu.memory_space<hbm>> -> memref<6400xf32, #tpu.memory_space<hbm>>
        tpu.enqueue_dma source(%dma_start3A_100 : memref<6400xf32, #tpu.memory_space<hbm>>) target(%arg12 : memref<6400xf32, #tpu.memory_space<vmem>>) target_semaphore(%arg23 : memref<!tpu.dma_semaphore, #tpu.memory_space<semaphore_mem>>)
      } else {
      }
      %add3A_80 = arith.constant 1 : i32
      %add3A_81 = arith.addi %add3A_52, %add3A_80 : i32
      %lt3A_82 = arith.cmpi slt, %add3A_81, %squeeze3A_7 : i32
      %convert_element_type3A_83 = arith.extui %lt3A_82 : i1 to i32
      %cond3A_84 = arith.constant 0 : i32
      %cond3A_85 = arith.cmpi ne, %convert_element_type3A_83, %cond3A_84 : i32
      scf.if %cond3A_85 {
        %add3A_86 = arith.constant 1 : i32
        %add3A_87 = arith.addi %add3A_52, %add3A_86 : i32
        %mul3A_88 = arith.constant 6400 : i32
        %mul3A_89 = arith.muli %add3A_87, %mul3A_88 : i32
        %dma_wait3A_90 = arith.constant 16 : i32
        %dma_wait3A_91 = tpu.memref_slice %arg13[%dma_wait3A_90] : memref<6432xi32, #tpu.memory_space<vmem>> -> memref<6400xi32, #tpu.memory_space<vmem>>
        %dma_wait3A_92 = tpu.memref_slice %arg5[%mul3A_89] : memref<6400000xi32, #tpu.memory_space<hbm>> -> memref<6400xi32, #tpu.memory_space<hbm>>
        %dma_wait3A_93 = arith.constant 16 : i32
        %dma_wait3A_94 = tpu.memref_slice %arg13[%dma_wait3A_93] : memref<6432xi32, #tpu.memory_space<vmem>> -> memref<6400xi32, #tpu.memory_space<vmem>>
        %dma_wait3A_95 = tpu.memref_slice %arg5[%mul3A_89] : memref<6400000xi32, #tpu.memory_space<hbm>> -> memref<6400xi32, #tpu.memory_space<hbm>>
        tpu.wait_dma2 semaphore(%arg24 : memref<!tpu.dma_semaphore, #tpu.memory_space<semaphore_mem>>) src(%dma_wait3A_95 : memref<6400xi32, #tpu.memory_space<hbm>>) dst(%dma_wait3A_94 : memref<6400xi32, #tpu.memory_space<vmem>>)
        %dma_wait3A_96 = tpu.memref_slice %arg2[%mul3A_89] : memref<6400000xf32, #tpu.memory_space<hbm>> -> memref<6400xf32, #tpu.memory_space<hbm>>
        %dma_wait3A_97 = tpu.memref_slice %arg2[%mul3A_89] : memref<6400000xf32, #tpu.memory_space<hbm>> -> memref<6400xf32, #tpu.memory_space<hbm>>
        tpu.wait_dma2 semaphore(%arg25 : memref<!tpu.dma_semaphore, #tpu.memory_space<semaphore_mem>>) src(%dma_wait3A_97 : memref<6400xf32, #tpu.memory_space<hbm>>) dst(%arg14 : memref<6400xf32, #tpu.memory_space<vmem>>)
        %dma_wait3A_98 = tpu.memref_slice %arg3[%mul3A_89] : memref<6400000xf32, #tpu.memory_space<hbm>> -> memref<6400xf32, #tpu.memory_space<hbm>>
        %dma_wait3A_99 = tpu.memref_slice %arg3[%mul3A_89] : memref<6400000xf32, #tpu.memory_space<hbm>> -> memref<6400xf32, #tpu.memory_space<hbm>>
        tpu.wait_dma2 semaphore(%arg26 : memref<!tpu.dma_semaphore, #tpu.memory_space<semaphore_mem>>) src(%dma_wait3A_99 : memref<6400xf32, #tpu.memory_space<hbm>>) dst(%arg15 : memref<6400xf32, #tpu.memory_space<vmem>>)
        %dma_wait3A_100 = tpu.memref_slice %arg4[%mul3A_89] : memref<6400000xf32, #tpu.memory_space<hbm>> -> memref<6400xf32, #tpu.memory_space<hbm>>
        %dma_wait3A_101 = tpu.memref_slice %arg4[%mul3A_89] : memref<6400000xf32, #tpu.memory_space<hbm>> -> memref<6400xf32, #tpu.memory_space<hbm>>
        tpu.wait_dma2 semaphore(%arg27 : memref<!tpu.dma_semaphore, #tpu.memory_space<semaphore_mem>>) src(%dma_wait3A_101 : memref<6400xf32, #tpu.memory_space<hbm>>) dst(%arg16 : memref<6400xf32, #tpu.memory_space<vmem>>)
        %parallel_loop3A_102 = arith.constant 0 : i32
        %parallel_loop3A_103 = arith.constant 6400 : i32
        %parallel_loop3A_104 = arith.constant 16 : i32
        scf.for %parallel_loop3A_105 = %parallel_loop3A_102 to %parallel_loop3A_103 step %parallel_loop3A_104  : i32 {
          %parallel_loop3A_106 = arith.constant 16 : i32
          %parallel_loop3A_107 = arith.addi %parallel_loop3A_106, %parallel_loop3A_105 : i32
          %parallel_loop3A_108 = arith.index_cast %parallel_loop3A_107 : i32 to index
          %parallel_loop3A_109 = tpu.vector_load %arg13[%parallel_loop3A_108] {strides = array<i32>} : memref<6432xi32, #tpu.memory_space<vmem>>, vector<16xi32>,
          %parallel_loop3A_110 = arith.constant 17 : i32
          %parallel_loop3A_111 = arith.addi %parallel_loop3A_110, %parallel_loop3A_105 : i32
          %parallel_loop3A_112 = arith.index_cast %parallel_loop3A_111 : i32 to index
          %parallel_loop3A_113 = tpu.vector_load %arg13[%parallel_loop3A_112] {strides = array<i32>} : memref<6432xi32, #tpu.memory_space<vmem>>, vector<16xi32>,
          %parallel_loop3A_114 = arith.index_cast %parallel_loop3A_105 : i32 to index
          %parallel_loop3A_115 = tpu.vector_load %arg14[%parallel_loop3A_114] {strides = array<i32>} : memref<6400xf32, #tpu.memory_space<vmem>>, vector<16xf32>,
          %parallel_loop3A_116 = math.exp %parallel_loop3A_115 : vector<16xf32>
          %parallel_loop3A_117 = arith.index_cast %parallel_loop3A_105 : i32 to index
          %parallel_loop3A_118 = tpu.vector_load %arg15[%parallel_loop3A_117] {strides = array<i32>} : memref<6400xf32, #tpu.memory_space<vmem>>, vector<16xf32>,
          %parallel_loop3A_119 = arith.mulf %parallel_loop3A_116, %parallel_loop3A_118 : vector<16xf32>
          %parallel_loop3A_120 = arith.index_cast %parallel_loop3A_105 : i32 to index
          %parallel_loop3A_121 = tpu.vector_load %arg16[%parallel_loop3A_120] {strides = array<i32>} : memref<6400xf32, #tpu.memory_space<vmem>>, vector<16xf32>,
          %parallel_loop3A_122 = arith.mulf %parallel_loop3A_116, %parallel_loop3A_121 : vector<16xf32>
          %parallel_loop3A_123 = arith.constant true
          %parallel_loop3A_124 = vector.broadcast %parallel_loop3A_123 : i1 to vector<16xi1>
          %parallel_loop3A_125 = tpu.scan <sum>, %parallel_loop3A_116 masked %parallel_loop3A_124 : vector<16xf32>, vector<16xi1> -> vector<16xf32>
          %parallel_loop3A_126 = arith.constant true
          %parallel_loop3A_127 = vector.broadcast %parallel_loop3A_126 : i1 to vector<16xi1>
          %parallel_loop3A_128 = tpu.scan <sum>, %parallel_loop3A_119 masked %parallel_loop3A_127 : vector<16xf32>, vector<16xi1> -> vector<16xf32>
          %parallel_loop3A_129 = arith.constant true
          %parallel_loop3A_130 = vector.broadcast %parallel_loop3A_129 : i1 to vector<16xi1>
          %parallel_loop3A_131 = tpu.scan <sum>, %parallel_loop3A_122 masked %parallel_loop3A_130 : vector<16xf32>, vector<16xi1> -> vector<16xf32>
          %parallel_loop3A_132 = vector.broadcast %mul3A_9 : i32 to vector<16xi32>
          %parallel_loop3A_133 = arith.subi %parallel_loop3A_109, %parallel_loop3A_132 : vector<16xi32>
          %parallel_loop3A_134 = vector.broadcast %mul3A_9 : i32 to vector<16xi32>
          %parallel_loop3A_135 = arith.subi %parallel_loop3A_113, %parallel_loop3A_134 : vector<16xi32>
          %parallel_loop3A_136 = arith.constant 0 : i32
          %parallel_loop3A_137 = vector.broadcast %parallel_loop3A_136 : i32 to vector<16xi32>
          %parallel_loop3A_138 = arith.cmpi sge, %parallel_loop3A_133, %parallel_loop3A_137 : vector<16xi32>
          %parallel_loop3A_139 = arith.constant 3136 : i32
          %parallel_loop3A_140 = vector.broadcast %parallel_loop3A_139 : i32 to vector<16xi32>
          %parallel_loop3A_141 = arith.cmpi slt, %parallel_loop3A_133, %parallel_loop3A_140 : vector<16xi32>
          %parallel_loop3A_142 = arith.andi %parallel_loop3A_138, %parallel_loop3A_141 : vector<16xi1>
          %parallel_loop3A_143 = arith.constant 0 : i32
          %parallel_loop3A_144 = vector.broadcast %parallel_loop3A_143 : i32 to vector<16xi32>
          %parallel_loop3A_145 = arith.cmpi sge, %parallel_loop3A_135, %parallel_loop3A_144 : vector<16xi32>
          %parallel_loop3A_146 = arith.constant 3136 : i32
          %parallel_loop3A_147 = vector.broadcast %parallel_loop3A_146 : i32 to vector<16xi32>
          %parallel_loop3A_148 = arith.cmpi slt, %parallel_loop3A_135, %parallel_loop3A_147 : vector<16xi32>
          %parallel_loop3A_149 = arith.andi %parallel_loop3A_145, %parallel_loop3A_148 : vector<16xi1>
          %parallel_loop3A_150 = arith.cmpi ne, %parallel_loop3A_109, %parallel_loop3A_113 : vector<16xi32>
          %parallel_loop3A_151 = arith.ori %parallel_loop3A_150, %eq3A_12 : vector<16xi1>
          %parallel_loop3A_152 = arith.andi %parallel_loop3A_151, %parallel_loop3A_142 : vector<16xi1>
          %parallel_loop3A_153 = arith.andi %parallel_loop3A_150, %ne3A_14 : vector<16xi1>
          %parallel_loop3A_154 = arith.andi %parallel_loop3A_153, %parallel_loop3A_149 : vector<16xi1>
          tpu.vector_store_idx %arg17[%parallel_loop3A_133], %parallel_loop3A_125 masked %parallel_loop3A_152 {add = true} : memref<3136xf32, #tpu.memory_space<vmem>>[vector<16xi32>], vector<16xf32>, vector<16xi1>
          tpu.vector_store_idx %arg18[%parallel_loop3A_133], %parallel_loop3A_128 masked %parallel_loop3A_152 {add = true} : memref<3136xf32, #tpu.memory_space<vmem>>[vector<16xi32>], vector<16xf32>, vector<16xi1>
          tpu.vector_store_idx %arg19[%parallel_loop3A_133], %parallel_loop3A_131 masked %parallel_loop3A_152 {add = true} : memref<3136xf32, #tpu.memory_space<vmem>>[vector<16xi32>], vector<16xf32>, vector<16xi1>
          %parallel_loop3A_155 = arith.constant 0.000000e+00 : f32
          %parallel_loop3A_156 = vector.broadcast %parallel_loop3A_155 : f32 to vector<16xf32>
          %parallel_loop3A_157 = arith.subf %parallel_loop3A_156, %parallel_loop3A_125 : vector<16xf32>
          tpu.vector_store_idx %arg17[%parallel_loop3A_135], %parallel_loop3A_157 masked %parallel_loop3A_154 {add = true} : memref<3136xf32, #tpu.memory_space<vmem>>[vector<16xi32>], vector<16xf32>, vector<16xi1>
          %parallel_loop3A_158 = arith.constant 0.000000e+00 : f32
          %parallel_loop3A_159 = vector.broadcast %parallel_loop3A_158 : f32 to vector<16xf32>
          %parallel_loop3A_160 = arith.subf %parallel_loop3A_159, %parallel_loop3A_128 : vector<16xf32>
          tpu.vector_store_idx %arg18[%parallel_loop3A_135], %parallel_loop3A_160 masked %parallel_loop3A_154 {add = true} : memref<3136xf32, #tpu.memory_space<vmem>>[vector<16xi32>], vector<16xf32>, vector<16xi1>
          %parallel_loop3A_161 = arith.constant 0.000000e+00 : f32
          %parallel_loop3A_162 = vector.broadcast %parallel_loop3A_161 : f32 to vector<16xf32>
          %parallel_loop3A_163 = arith.subf %parallel_loop3A_162, %parallel_loop3A_131 : vector<16xf32>
          tpu.vector_store_idx %arg19[%parallel_loop3A_135], %parallel_loop3A_163 masked %parallel_loop3A_154 {add = true} : memref<3136xf32, #tpu.memory_space<vmem>>[vector<16xi32>], vector<16xf32>, vector<16xi1>
        } {sc.loop_unroll_factor = 2 : i64, sc.parallel_access}
      } else {
      }
    }
    %while3A_42 = arith.constant 1 : i32
    scf.for %while3A_50 = %while3A_40 to %while3A_36 step %while3A_42  : i32 {
      %mul3A_51 = arith.muli %while3A_50, %while3A : i32
      %add3A_52 = arith.addi %squeeze3A, %mul3A_51 : i32
      %add3A_53 = arith.constant 1 : i32
      %add3A_54 = arith.addi %add3A_52, %add3A_53 : i32
      %lt3A_55 = arith.cmpi slt, %add3A_54, %squeeze3A_7 : i32
      %convert_element_type3A_56 = arith.extui %lt3A_55 : i1 to i32
      %cond3A_57 = arith.constant 0 : i32
      %cond3A_58 = arith.cmpi ne, %convert_element_type3A_56, %cond3A_57 : i32
      scf.if %cond3A_58 {
        %add3A_86 = arith.constant 1 : i32
        %add3A_87 = arith.addi %add3A_52, %add3A_86 : i32
        %mul3A_88 = arith.constant 6400 : i32
        %mul3A_89 = arith.muli %add3A_87, %mul3A_88 : i32
        %dma_start3A = arith.constant 16 : i32
        %dma_start3A_90 = tpu.memref_slice %arg13[%dma_start3A] : memref<6432xi32, #tpu.memory_space<vmem>> -> memref<6400xi32, #tpu.memory_space<vmem>>
        %dma_start3A_91 = tpu.memref_slice %arg5[%mul3A_89] : memref<6400000xi32, #tpu.memory_space<hbm>> -> memref<6400xi32, #tpu.memory_space<hbm>>
        %dma_start3A_92 = arith.constant 16 : i32
        %dma_start3A_93 = tpu.memref_slice %arg13[%dma_start3A_92] : memref<6432xi32, #tpu.memory_space<vmem>> -> memref<6400xi32, #tpu.memory_space<vmem>>
        %dma_start3A_94 = tpu.memref_slice %arg5[%mul3A_89] : memref<6400000xi32, #tpu.memory_space<hbm>> -> memref<6400xi32, #tpu.memory_space<hbm>>
        tpu.enqueue_dma source(%dma_start3A_94 : memref<6400xi32, #tpu.memory_space<hbm>>) target(%dma_start3A_93 : memref<6400xi32, #tpu.memory_space<vmem>>) target_semaphore(%arg24 : memref<!tpu.dma_semaphore, #tpu.memory_space<semaphore_mem>>)
        %dma_start3A_95 = tpu.memref_slice %arg2[%mul3A_89] : memref<6400000xf32, #tpu.memory_space<hbm>> -> memref<6400xf32, #tpu.memory_space<hbm>>
        %dma_start3A_96 = tpu.memref_slice %arg2[%mul3A_89] : memref<6400000xf32, #tpu.memory_space<hbm>> -> memref<6400xf32, #tpu.memory_space<hbm>>
        tpu.enqueue_dma source(%dma_start3A_96 : memref<6400xf32, #tpu.memory_space<hbm>>) target(%arg14 : memref<6400xf32, #tpu.memory_space<vmem>>) target_semaphore(%arg25 : memref<!tpu.dma_semaphore, #tpu.memory_space<semaphore_mem>>)
        %dma_start3A_97 = tpu.memref_slice %arg3[%mul3A_89] : memref<6400000xf32, #tpu.memory_space<hbm>> -> memref<6400xf32, #tpu.memory_space<hbm>>
        %dma_start3A_98 = tpu.memref_slice %arg3[%mul3A_89] : memref<6400000xf32, #tpu.memory_space<hbm>> -> memref<6400xf32, #tpu.memory_space<hbm>>
        tpu.enqueue_dma source(%dma_start3A_98 : memref<6400xf32, #tpu.memory_space<hbm>>) target(%arg15 : memref<6400xf32, #tpu.memory_space<vmem>>) target_semaphore(%arg26 : memref<!tpu.dma_semaphore, #tpu.memory_space<semaphore_mem>>)
        %dma_start3A_99 = tpu.memref_slice %arg4[%mul3A_89] : memref<6400000xf32, #tpu.memory_space<hbm>> -> memref<6400xf32, #tpu.memory_space<hbm>>
        %dma_start3A_100 = tpu.memref_slice %arg4[%mul3A_89] : memref<6400000xf32, #tpu.memory_space<hbm>> -> memref<6400xf32, #tpu.memory_space<hbm>>
        tpu.enqueue_dma source(%dma_start3A_100 : memref<6400xf32, #tpu.memory_space<hbm>>) target(%arg16 : memref<6400xf32, #tpu.memory_space<vmem>>) target_semaphore(%arg27 : memref<!tpu.dma_semaphore, #tpu.memory_space<semaphore_mem>>)
      } else {
      }
      %mul3A_59 = arith.constant 6400 : i32
      %mul3A_60 = arith.muli %add3A_52, %mul3A_59 : i32
      %dma_wait3A = arith.constant 16 : i32
      %dma_wait3A_61 = tpu.memref_slice %arg9[%dma_wait3A] : memref<6432xi32, #tpu.memory_space<vmem>> -> memref<6400xi32, #tpu.memory_space<vmem>>
      %dma_wait3A_62 = tpu.memref_slice %arg5[%mul3A_60] : memref<6400000xi32, #tpu.memory_space<hbm>> -> memref<6400xi32, #tpu.memory_space<hbm>>
      %dma_wait3A_63 = arith.constant 16 : i32
      %dma_wait3A_64 = tpu.memref_slice %arg9[%dma_wait3A_63] : memref<6432xi32, #tpu.memory_space<vmem>> -> memref<6400xi32, #tpu.memory_space<vmem>>
      %dma_wait3A_65 = tpu.memref_slice %arg5[%mul3A_60] : memref<6400000xi32, #tpu.memory_space<hbm>> -> memref<6400xi32, #tpu.memory_space<hbm>>
      tpu.wait_dma2 semaphore(%arg20 : memref<!tpu.dma_semaphore, #tpu.memory_space<semaphore_mem>>) src(%dma_wait3A_65 : memref<6400xi32, #tpu.memory_space<hbm>>) dst(%dma_wait3A_64 : memref<6400xi32, #tpu.memory_space<vmem>>)
      %dma_wait3A_66 = tpu.memref_slice %arg2[%mul3A_60] : memref<6400000xf32, #tpu.memory_space<hbm>> -> memref<6400xf32, #tpu.memory_space<hbm>>
      %dma_wait3A_67 = tpu.memref_slice %arg2[%mul3A_60] : memref<6400000xf32, #tpu.memory_space<hbm>> -> memref<6400xf32, #tpu.memory_space<hbm>>
      tpu.wait_dma2 semaphore(%arg21 : memref<!tpu.dma_semaphore, #tpu.memory_space<semaphore_mem>>) src(%dma_wait3A_67 : memref<6400xf32, #tpu.memory_space<hbm>>) dst(%arg10 : memref<6400xf32, #tpu.memory_space<vmem>>)
      %dma_wait3A_68 = tpu.memref_slice %arg3[%mul3A_60] : memref<6400000xf32, #tpu.memory_space<hbm>> -> memref<6400xf32, #tpu.memory_space<hbm>>
      %dma_wait3A_69 = tpu.memref_slice %arg3[%mul3A_60] : memref<6400000xf32, #tpu.memory_space<hbm>> -> memref<6400xf32, #tpu.memory_space<hbm>>
      tpu.wait_dma2 semaphore(%arg22 : memref<!tpu.dma_semaphore, #tpu.memory_space<semaphore_mem>>) src(%dma_wait3A_69 : memref<6400xf32, #tpu.memory_space<hbm>>) dst(%arg11 : memref<6400xf32, #tpu.memory_space<vmem>>)
      %dma_wait3A_70 = tpu.memref_slice %arg4[%mul3A_60] : memref<6400000xf32, #tpu.memory_space<hbm>> -> memref<6400xf32, #tpu.memory_space<hbm>>
      %dma_wait3A_71 = tpu.memref_slice %arg4[%mul3A_60] : memref<6400000xf32, #tpu.memory_space<hbm>> -> memref<6400xf32, #tpu.memory_space<hbm>>
      tpu.wait_dma2 semaphore(%arg23 : memref<!tpu.dma_semaphore, #tpu.memory_space<semaphore_mem>>) src(%dma_wait3A_71 : memref<6400xf32, #tpu.memory_space<hbm>>) dst(%arg12 : memref<6400xf32, #tpu.memory_space<vmem>>)
      %parallel_loop3A = arith.constant 0 : i32
      %parallel_loop3A_72 = arith.constant 6400 : i32
      %parallel_loop3A_73 = arith.constant 16 : i32
      scf.for %parallel_loop3A_86 = %parallel_loop3A to %parallel_loop3A_72 step %parallel_loop3A_73  : i32 {
        %parallel_loop3A_87 = arith.constant 16 : i32
        %parallel_loop3A_88 = arith.addi %parallel_loop3A_87, %parallel_loop3A_86 : i32
        %parallel_loop3A_89 = arith.index_cast %parallel_loop3A_88 : i32 to index
        %parallel_loop3A_90 = tpu.vector_load %arg9[%parallel_loop3A_89] {strides = array<i32>} : memref<6432xi32, #tpu.memory_space<vmem>>, vector<16xi32>,
        %parallel_loop3A_91 = arith.constant 17 : i32
        %parallel_loop3A_92 = arith.addi %parallel_loop3A_91, %parallel_loop3A_86 : i32
        %parallel_loop3A_93 = arith.index_cast %parallel_loop3A_92 : i32 to index
        %parallel_loop3A_94 = tpu.vector_load %arg9[%parallel_loop3A_93] {strides = array<i32>} : memref<6432xi32, #tpu.memory_space<vmem>>, vector<16xi32>,
        %parallel_loop3A_95 = arith.index_cast %parallel_loop3A_86 : i32 to index
        %parallel_loop3A_96 = tpu.vector_load %arg10[%parallel_loop3A_95] {strides = array<i32>} : memref<6400xf32, #tpu.memory_space<vmem>>, vector<16xf32>,
        %parallel_loop3A_97 = math.exp %parallel_loop3A_96 : vector<16xf32>
        %parallel_loop3A_98 = arith.index_cast %parallel_loop3A_86 : i32 to index
        %parallel_loop3A_99 = tpu.vector_load %arg11[%parallel_loop3A_98] {strides = array<i32>} : memref<6400xf32, #tpu.memory_space<vmem>>, vector<16xf32>,
        %parallel_loop3A_100 = arith.mulf %parallel_loop3A_97, %parallel_loop3A_99 : vector<16xf32>
        %parallel_loop3A_101 = arith.index_cast %parallel_loop3A_86 : i32 to index
        %parallel_loop3A_102 = tpu.vector_load %arg12[%parallel_loop3A_101] {strides = array<i32>} : memref<6400xf32, #tpu.memory_space<vmem>>, vector<16xf32>,
        %parallel_loop3A_103 = arith.mulf %parallel_loop3A_97, %parallel_loop3A_102 : vector<16xf32>
        %parallel_loop3A_104 = arith.constant true
        %parallel_loop3A_105 = vector.broadcast %parallel_loop3A_104 : i1 to vector<16xi1>
        %parallel_loop3A_106 = tpu.scan <sum>, %parallel_loop3A_97 masked %parallel_loop3A_105 : vector<16xf32>, vector<16xi1> -> vector<16xf32>
        %parallel_loop3A_107 = arith.constant true
        %parallel_loop3A_108 = vector.broadcast %parallel_loop3A_107 : i1 to vector<16xi1>
        %parallel_loop3A_109 = tpu.scan <sum>, %parallel_loop3A_100 masked %parallel_loop3A_108 : vector<16xf32>, vector<16xi1> -> vector<16xf32>
        %parallel_loop3A_110 = arith.constant true
        %parallel_loop3A_111 = vector.broadcast %parallel_loop3A_110 : i1 to vector<16xi1>
        %parallel_loop3A_112 = tpu.scan <sum>, %parallel_loop3A_103 masked %parallel_loop3A_111 : vector<16xf32>, vector<16xi1> -> vector<16xf32>
        %parallel_loop3A_113 = vector.broadcast %mul3A_9 : i32 to vector<16xi32>
        %parallel_loop3A_114 = arith.subi %parallel_loop3A_90, %parallel_loop3A_113 : vector<16xi32>
        %parallel_loop3A_115 = vector.broadcast %mul3A_9 : i32 to vector<16xi32>
        %parallel_loop3A_116 = arith.subi %parallel_loop3A_94, %parallel_loop3A_115 : vector<16xi32>
        %parallel_loop3A_117 = arith.constant 0 : i32
        %parallel_loop3A_118 = vector.broadcast %parallel_loop3A_117 : i32 to vector<16xi32>
        %parallel_loop3A_119 = arith.cmpi sge, %parallel_loop3A_114, %parallel_loop3A_118 : vector<16xi32>
        %parallel_loop3A_120 = arith.constant 3136 : i32
        %parallel_loop3A_121 = vector.broadcast %parallel_loop3A_120 : i32 to vector<16xi32>
        %parallel_loop3A_122 = arith.cmpi slt, %parallel_loop3A_114, %parallel_loop3A_121 : vector<16xi32>
        %parallel_loop3A_123 = arith.andi %parallel_loop3A_119, %parallel_loop3A_122 : vector<16xi1>
        %parallel_loop3A_124 = arith.constant 0 : i32
        %parallel_loop3A_125 = vector.broadcast %parallel_loop3A_124 : i32 to vector<16xi32>
        %parallel_loop3A_126 = arith.cmpi sge, %parallel_loop3A_116, %parallel_loop3A_125 : vector<16xi32>
        %parallel_loop3A_127 = arith.constant 3136 : i32
        %parallel_loop3A_128 = vector.broadcast %parallel_loop3A_127 : i32 to vector<16xi32>
        %parallel_loop3A_129 = arith.cmpi slt, %parallel_loop3A_116, %parallel_loop3A_128 : vector<16xi32>
        %parallel_loop3A_130 = arith.andi %parallel_loop3A_126, %parallel_loop3A_129 : vector<16xi1>
        %parallel_loop3A_131 = arith.cmpi ne, %parallel_loop3A_90, %parallel_loop3A_94 : vector<16xi32>
        %parallel_loop3A_132 = arith.ori %parallel_loop3A_131, %eq3A_12 : vector<16xi1>
        %parallel_loop3A_133 = arith.andi %parallel_loop3A_132, %parallel_loop3A_123 : vector<16xi1>
        %parallel_loop3A_134 = arith.andi %parallel_loop3A_131, %ne3A_14 : vector<16xi1>
        %parallel_loop3A_135 = arith.andi %parallel_loop3A_134, %parallel_loop3A_130 : vector<16xi1>
        tpu.vector_store_idx %arg17[%parallel_loop3A_114], %parallel_loop3A_106 masked %parallel_loop3A_133 {add = true} : memref<3136xf32, #tpu.memory_space<vmem>>[vector<16xi32>], vector<16xf32>, vector<16xi1>
        tpu.vector_store_idx %arg18[%parallel_loop3A_114], %parallel_loop3A_109 masked %parallel_loop3A_133 {add = true} : memref<3136xf32, #tpu.memory_space<vmem>>[vector<16xi32>], vector<16xf32>, vector<16xi1>
        tpu.vector_store_idx %arg19[%parallel_loop3A_114], %parallel_loop3A_112 masked %parallel_loop3A_133 {add = true} : memref<3136xf32, #tpu.memory_space<vmem>>[vector<16xi32>], vector<16xf32>, vector<16xi1>
        %parallel_loop3A_136 = arith.constant 0.000000e+00 : f32
        %parallel_loop3A_137 = vector.broadcast %parallel_loop3A_136 : f32 to vector<16xf32>
        %parallel_loop3A_138 = arith.subf %parallel_loop3A_137, %parallel_loop3A_106 : vector<16xf32>
        tpu.vector_store_idx %arg17[%parallel_loop3A_116], %parallel_loop3A_138 masked %parallel_loop3A_135 {add = true} : memref<3136xf32, #tpu.memory_space<vmem>>[vector<16xi32>], vector<16xf32>, vector<16xi1>
        %parallel_loop3A_139 = arith.constant 0.000000e+00 : f32
        %parallel_loop3A_140 = vector.broadcast %parallel_loop3A_139 : f32 to vector<16xf32>
        %parallel_loop3A_141 = arith.subf %parallel_loop3A_140, %parallel_loop3A_109 : vector<16xf32>
        tpu.vector_store_idx %arg18[%parallel_loop3A_116], %parallel_loop3A_141 masked %parallel_loop3A_135 {add = true} : memref<3136xf32, #tpu.memory_space<vmem>>[vector<16xi32>], vector<16xf32>, vector<16xi1>
        %parallel_loop3A_142 = arith.constant 0.000000e+00 : f32
        %parallel_loop3A_143 = vector.broadcast %parallel_loop3A_142 : f32 to vector<16xf32>
        %parallel_loop3A_144 = arith.subf %parallel_loop3A_143, %parallel_loop3A_112 : vector<16xf32>
        tpu.vector_store_idx %arg19[%parallel_loop3A_116], %parallel_loop3A_144 masked %parallel_loop3A_135 {add = true} : memref<3136xf32, #tpu.memory_space<vmem>>[vector<16xi32>], vector<16xf32>, vector<16xi1>
      } {sc.loop_unroll_factor = 2 : i64, sc.parallel_access}
      %add3A_74 = arith.constant 2 : i32
      %add3A_75 = arith.addi %add3A_52, %add3A_74 : i32
      %lt3A_76 = arith.cmpi slt, %add3A_75, %squeeze3A_7 : i32
      %convert_element_type3A_77 = arith.extui %lt3A_76 : i1 to i32
      %cond3A_78 = arith.constant 0 : i32
      %cond3A_79 = arith.cmpi ne, %convert_element_type3A_77, %cond3A_78 : i32
      scf.if %cond3A_79 {
        %add3A_86 = arith.constant 2 : i32
        %add3A_87 = arith.addi %add3A_52, %add3A_86 : i32
        %mul3A_88 = arith.constant 6400 : i32
        %mul3A_89 = arith.muli %add3A_87, %mul3A_88 : i32
        %dma_start3A = arith.constant 16 : i32
        %dma_start3A_90 = tpu.memref_slice %arg9[%dma_start3A] : memref<6432xi32, #tpu.memory_space<vmem>> -> memref<6400xi32, #tpu.memory_space<vmem>>
        %dma_start3A_91 = tpu.memref_slice %arg5[%mul3A_89] : memref<6400000xi32, #tpu.memory_space<hbm>> -> memref<6400xi32, #tpu.memory_space<hbm>>
        %dma_start3A_92 = arith.constant 16 : i32
        %dma_start3A_93 = tpu.memref_slice %arg9[%dma_start3A_92] : memref<6432xi32, #tpu.memory_space<vmem>> -> memref<6400xi32, #tpu.memory_space<vmem>>
        %dma_start3A_94 = tpu.memref_slice %arg5[%mul3A_89] : memref<6400000xi32, #tpu.memory_space<hbm>> -> memref<6400xi32, #tpu.memory_space<hbm>>
        tpu.enqueue_dma source(%dma_start3A_94 : memref<6400xi32, #tpu.memory_space<hbm>>) target(%dma_start3A_93 : memref<6400xi32, #tpu.memory_space<vmem>>) target_semaphore(%arg20 : memref<!tpu.dma_semaphore, #tpu.memory_space<semaphore_mem>>)
        %dma_start3A_95 = tpu.memref_slice %arg2[%mul3A_89] : memref<6400000xf32, #tpu.memory_space<hbm>> -> memref<6400xf32, #tpu.memory_space<hbm>>
        %dma_start3A_96 = tpu.memref_slice %arg2[%mul3A_89] : memref<6400000xf32, #tpu.memory_space<hbm>> -> memref<6400xf32, #tpu.memory_space<hbm>>
        tpu.enqueue_dma source(%dma_start3A_96 : memref<6400xf32, #tpu.memory_space<hbm>>) target(%arg10 : memref<6400xf32, #tpu.memory_space<vmem>>) target_semaphore(%arg21 : memref<!tpu.dma_semaphore, #tpu.memory_space<semaphore_mem>>)
        %dma_start3A_97 = tpu.memref_slice %arg3[%mul3A_89] : memref<6400000xf32, #tpu.memory_space<hbm>> -> memref<6400xf32, #tpu.memory_space<hbm>>
        %dma_start3A_98 = tpu.memref_slice %arg3[%mul3A_89] : memref<6400000xf32, #tpu.memory_space<hbm>> -> memref<6400xf32, #tpu.memory_space<hbm>>
        tpu.enqueue_dma source(%dma_start3A_98 : memref<6400xf32, #tpu.memory_space<hbm>>) target(%arg11 : memref<6400xf32, #tpu.memory_space<vmem>>) target_semaphore(%arg22 : memref<!tpu.dma_semaphore, #tpu.memory_space<semaphore_mem>>)
        %dma_start3A_99 = tpu.memref_slice %arg4[%mul3A_89] : memref<6400000xf32, #tpu.memory_space<hbm>> -> memref<6400xf32, #tpu.memory_space<hbm>>
        %dma_start3A_100 = tpu.memref_slice %arg4[%mul3A_89] : memref<6400000xf32, #tpu.memory_space<hbm>> -> memref<6400xf32, #tpu.memory_space<hbm>>
        tpu.enqueue_dma source(%dma_start3A_100 : memref<6400xf32, #tpu.memory_space<hbm>>) target(%arg12 : memref<6400xf32, #tpu.memory_space<vmem>>) target_semaphore(%arg23 : memref<!tpu.dma_semaphore, #tpu.memory_space<semaphore_mem>>)
      } else {
      }
      %add3A_80 = arith.constant 1 : i32
      %add3A_81 = arith.addi %add3A_52, %add3A_80 : i32
      %lt3A_82 = arith.cmpi slt, %add3A_81, %squeeze3A_7 : i32
      %convert_element_type3A_83 = arith.extui %lt3A_82 : i1 to i32
      %cond3A_84 = arith.constant 0 : i32
      %cond3A_85 = arith.cmpi ne, %convert_element_type3A_83, %cond3A_84 : i32
      scf.if %cond3A_85 {
        %add3A_86 = arith.constant 1 : i32
        %add3A_87 = arith.addi %add3A_52, %add3A_86 : i32
        %mul3A_88 = arith.constant 6400 : i32
        %mul3A_89 = arith.muli %add3A_87, %mul3A_88 : i32
        %dma_wait3A_90 = arith.constant 16 : i32
        %dma_wait3A_91 = tpu.memref_slice %arg13[%dma_wait3A_90] : memref<6432xi32, #tpu.memory_space<vmem>> -> memref<6400xi32, #tpu.memory_space<vmem>>
        %dma_wait3A_92 = tpu.memref_slice %arg5[%mul3A_89] : memref<6400000xi32, #tpu.memory_space<hbm>> -> memref<6400xi32, #tpu.memory_space<hbm>>
        %dma_wait3A_93 = arith.constant 16 : i32
        %dma_wait3A_94 = tpu.memref_slice %arg13[%dma_wait3A_93] : memref<6432xi32, #tpu.memory_space<vmem>> -> memref<6400xi32, #tpu.memory_space<vmem>>
        %dma_wait3A_95 = tpu.memref_slice %arg5[%mul3A_89] : memref<6400000xi32, #tpu.memory_space<hbm>> -> memref<6400xi32, #tpu.memory_space<hbm>>
        tpu.wait_dma2 semaphore(%arg24 : memref<!tpu.dma_semaphore, #tpu.memory_space<semaphore_mem>>) src(%dma_wait3A_95 : memref<6400xi32, #tpu.memory_space<hbm>>) dst(%dma_wait3A_94 : memref<6400xi32, #tpu.memory_space<vmem>>)
        %dma_wait3A_96 = tpu.memref_slice %arg2[%mul3A_89] : memref<6400000xf32, #tpu.memory_space<hbm>> -> memref<6400xf32, #tpu.memory_space<hbm>>
        %dma_wait3A_97 = tpu.memref_slice %arg2[%mul3A_89] : memref<6400000xf32, #tpu.memory_space<hbm>> -> memref<6400xf32, #tpu.memory_space<hbm>>
        tpu.wait_dma2 semaphore(%arg25 : memref<!tpu.dma_semaphore, #tpu.memory_space<semaphore_mem>>) src(%dma_wait3A_97 : memref<6400xf32, #tpu.memory_space<hbm>>) dst(%arg14 : memref<6400xf32, #tpu.memory_space<vmem>>)
        %dma_wait3A_98 = tpu.memref_slice %arg3[%mul3A_89] : memref<6400000xf32, #tpu.memory_space<hbm>> -> memref<6400xf32, #tpu.memory_space<hbm>>
        %dma_wait3A_99 = tpu.memref_slice %arg3[%mul3A_89] : memref<6400000xf32, #tpu.memory_space<hbm>> -> memref<6400xf32, #tpu.memory_space<hbm>>
        tpu.wait_dma2 semaphore(%arg26 : memref<!tpu.dma_semaphore, #tpu.memory_space<semaphore_mem>>) src(%dma_wait3A_99 : memref<6400xf32, #tpu.memory_space<hbm>>) dst(%arg15 : memref<6400xf32, #tpu.memory_space<vmem>>)
        %dma_wait3A_100 = tpu.memref_slice %arg4[%mul3A_89] : memref<6400000xf32, #tpu.memory_space<hbm>> -> memref<6400xf32, #tpu.memory_space<hbm>>
        %dma_wait3A_101 = tpu.memref_slice %arg4[%mul3A_89] : memref<6400000xf32, #tpu.memory_space<hbm>> -> memref<6400xf32, #tpu.memory_space<hbm>>
        tpu.wait_dma2 semaphore(%arg27 : memref<!tpu.dma_semaphore, #tpu.memory_space<semaphore_mem>>) src(%dma_wait3A_101 : memref<6400xf32, #tpu.memory_space<hbm>>) dst(%arg16 : memref<6400xf32, #tpu.memory_space<vmem>>)
        %parallel_loop3A_102 = arith.constant 0 : i32
        %parallel_loop3A_103 = arith.constant 6400 : i32
        %parallel_loop3A_104 = arith.constant 16 : i32
        scf.for %parallel_loop3A_105 = %parallel_loop3A_102 to %parallel_loop3A_103 step %parallel_loop3A_104  : i32 {
          %parallel_loop3A_106 = arith.constant 16 : i32
          %parallel_loop3A_107 = arith.addi %parallel_loop3A_106, %parallel_loop3A_105 : i32
          %parallel_loop3A_108 = arith.index_cast %parallel_loop3A_107 : i32 to index
          %parallel_loop3A_109 = tpu.vector_load %arg13[%parallel_loop3A_108] {strides = array<i32>} : memref<6432xi32, #tpu.memory_space<vmem>>, vector<16xi32>,
          %parallel_loop3A_110 = arith.constant 17 : i32
          %parallel_loop3A_111 = arith.addi %parallel_loop3A_110, %parallel_loop3A_105 : i32
          %parallel_loop3A_112 = arith.index_cast %parallel_loop3A_111 : i32 to index
          %parallel_loop3A_113 = tpu.vector_load %arg13[%parallel_loop3A_112] {strides = array<i32>} : memref<6432xi32, #tpu.memory_space<vmem>>, vector<16xi32>,
          %parallel_loop3A_114 = arith.index_cast %parallel_loop3A_105 : i32 to index
          %parallel_loop3A_115 = tpu.vector_load %arg14[%parallel_loop3A_114] {strides = array<i32>} : memref<6400xf32, #tpu.memory_space<vmem>>, vector<16xf32>,
          %parallel_loop3A_116 = math.exp %parallel_loop3A_115 : vector<16xf32>
          %parallel_loop3A_117 = arith.index_cast %parallel_loop3A_105 : i32 to index
          %parallel_loop3A_118 = tpu.vector_load %arg15[%parallel_loop3A_117] {strides = array<i32>} : memref<6400xf32, #tpu.memory_space<vmem>>, vector<16xf32>,
          %parallel_loop3A_119 = arith.mulf %parallel_loop3A_116, %parallel_loop3A_118 : vector<16xf32>
          %parallel_loop3A_120 = arith.index_cast %parallel_loop3A_105 : i32 to index
          %parallel_loop3A_121 = tpu.vector_load %arg16[%parallel_loop3A_120] {strides = array<i32>} : memref<6400xf32, #tpu.memory_space<vmem>>, vector<16xf32>,
          %parallel_loop3A_122 = arith.mulf %parallel_loop3A_116, %parallel_loop3A_121 : vector<16xf32>
          %parallel_loop3A_123 = arith.constant true
          %parallel_loop3A_124 = vector.broadcast %parallel_loop3A_123 : i1 to vector<16xi1>
          %parallel_loop3A_125 = tpu.scan <sum>, %parallel_loop3A_116 masked %parallel_loop3A_124 : vector<16xf32>, vector<16xi1> -> vector<16xf32>
          %parallel_loop3A_126 = arith.constant true
          %parallel_loop3A_127 = vector.broadcast %parallel_loop3A_126 : i1 to vector<16xi1>
          %parallel_loop3A_128 = tpu.scan <sum>, %parallel_loop3A_119 masked %parallel_loop3A_127 : vector<16xf32>, vector<16xi1> -> vector<16xf32>
          %parallel_loop3A_129 = arith.constant true
          %parallel_loop3A_130 = vector.broadcast %parallel_loop3A_129 : i1 to vector<16xi1>
          %parallel_loop3A_131 = tpu.scan <sum>, %parallel_loop3A_122 masked %parallel_loop3A_130 : vector<16xf32>, vector<16xi1> -> vector<16xf32>
          %parallel_loop3A_132 = vector.broadcast %mul3A_9 : i32 to vector<16xi32>
          %parallel_loop3A_133 = arith.subi %parallel_loop3A_109, %parallel_loop3A_132 : vector<16xi32>
          %parallel_loop3A_134 = vector.broadcast %mul3A_9 : i32 to vector<16xi32>
          %parallel_loop3A_135 = arith.subi %parallel_loop3A_113, %parallel_loop3A_134 : vector<16xi32>
          %parallel_loop3A_136 = arith.constant 0 : i32
          %parallel_loop3A_137 = vector.broadcast %parallel_loop3A_136 : i32 to vector<16xi32>
          %parallel_loop3A_138 = arith.cmpi sge, %parallel_loop3A_133, %parallel_loop3A_137 : vector<16xi32>
          %parallel_loop3A_139 = arith.constant 3136 : i32
          %parallel_loop3A_140 = vector.broadcast %parallel_loop3A_139 : i32 to vector<16xi32>
          %parallel_loop3A_141 = arith.cmpi slt, %parallel_loop3A_133, %parallel_loop3A_140 : vector<16xi32>
          %parallel_loop3A_142 = arith.andi %parallel_loop3A_138, %parallel_loop3A_141 : vector<16xi1>
          %parallel_loop3A_143 = arith.constant 0 : i32
          %parallel_loop3A_144 = vector.broadcast %parallel_loop3A_143 : i32 to vector<16xi32>
          %parallel_loop3A_145 = arith.cmpi sge, %parallel_loop3A_135, %parallel_loop3A_144 : vector<16xi32>
          %parallel_loop3A_146 = arith.constant 3136 : i32
          %parallel_loop3A_147 = vector.broadcast %parallel_loop3A_146 : i32 to vector<16xi32>
          %parallel_loop3A_148 = arith.cmpi slt, %parallel_loop3A_135, %parallel_loop3A_147 : vector<16xi32>
          %parallel_loop3A_149 = arith.andi %parallel_loop3A_145, %parallel_loop3A_148 : vector<16xi1>
          %parallel_loop3A_150 = arith.cmpi ne, %parallel_loop3A_109, %parallel_loop3A_113 : vector<16xi32>
          %parallel_loop3A_151 = arith.ori %parallel_loop3A_150, %eq3A_12 : vector<16xi1>
          %parallel_loop3A_152 = arith.andi %parallel_loop3A_151, %parallel_loop3A_142 : vector<16xi1>
          %parallel_loop3A_153 = arith.andi %parallel_loop3A_150, %ne3A_14 : vector<16xi1>
          %parallel_loop3A_154 = arith.andi %parallel_loop3A_153, %parallel_loop3A_149 : vector<16xi1>
          tpu.vector_store_idx %arg17[%parallel_loop3A_133], %parallel_loop3A_125 masked %parallel_loop3A_152 {add = true} : memref<3136xf32, #tpu.memory_space<vmem>>[vector<16xi32>], vector<16xf32>, vector<16xi1>
          tpu.vector_store_idx %arg18[%parallel_loop3A_133], %parallel_loop3A_128 masked %parallel_loop3A_152 {add = true} : memref<3136xf32, #tpu.memory_space<vmem>>[vector<16xi32>], vector<16xf32>, vector<16xi1>
          tpu.vector_store_idx %arg19[%parallel_loop3A_133], %parallel_loop3A_131 masked %parallel_loop3A_152 {add = true} : memref<3136xf32, #tpu.memory_space<vmem>>[vector<16xi32>], vector<16xf32>, vector<16xi1>
          %parallel_loop3A_155 = arith.constant 0.000000e+00 : f32
          %parallel_loop3A_156 = vector.broadcast %parallel_loop3A_155 : f32 to vector<16xf32>
          %parallel_loop3A_157 = arith.subf %parallel_loop3A_156, %parallel_loop3A_125 : vector<16xf32>
          tpu.vector_store_idx %arg17[%parallel_loop3A_135], %parallel_loop3A_157 masked %parallel_loop3A_154 {add = true} : memref<3136xf32, #tpu.memory_space<vmem>>[vector<16xi32>], vector<16xf32>, vector<16xi1>
          %parallel_loop3A_158 = arith.constant 0.000000e+00 : f32
          %parallel_loop3A_159 = vector.broadcast %parallel_loop3A_158 : f32 to vector<16xf32>
          %parallel_loop3A_160 = arith.subf %parallel_loop3A_159, %parallel_loop3A_128 : vector<16xf32>
          tpu.vector_store_idx %arg18[%parallel_loop3A_135], %parallel_loop3A_160 masked %parallel_loop3A_154 {add = true} : memref<3136xf32, #tpu.memory_space<vmem>>[vector<16xi32>], vector<16xf32>, vector<16xi1>
          %parallel_loop3A_161 = arith.constant 0.000000e+00 : f32
          %parallel_loop3A_162 = vector.broadcast %parallel_loop3A_161 : f32 to vector<16xf32>
          %parallel_loop3A_163 = arith.subf %parallel_loop3A_162, %parallel_loop3A_131 : vector<16xf32>
          tpu.vector_store_idx %arg19[%parallel_loop3A_135], %parallel_loop3A_163 masked %parallel_loop3A_154 {add = true} : memref<3136xf32, #tpu.memory_space<vmem>>[vector<16xi32>], vector<16xf32>, vector<16xi1>
        } {sc.loop_unroll_factor = 2 : i64, sc.parallel_access}
      } else {
      }
    }
    %scan3A_43 = arith.constant 0 : i32
    %scan3A_44 = arith.constant 196 : i32
    %scan3A_45 = arith.addi %scan3A_43, %scan3A_44 : i32
    %scan3A_46 = arith.constant 1 : i32
    scf.for %scan3A_50 = %scan3A_43 to %scan3A_45 step %scan3A_46  : i32 {
      %mul3A_51 = arith.constant 16 : i32
      %mul3A_52 = arith.muli %scan3A_50, %mul3A_51 : i32
      %add3A_53 = arith.constant 0 : i32
      %add3A_54 = arith.addi %add3A_53, %mul3A_52 : i32
      %get3A_55 = arith.index_cast %add3A_54 : i32 to index
      %get3A_56 = tpu.vector_load %arg17[%get3A_55] {strides = array<i32>} : memref<3136xf32, #tpu.memory_space<vmem>>, vector<16xf32>,
      %ne3A_57 = arith.constant 0.000000e+00 : f32
      %ne3A_58 = vector.broadcast %ne3A_57 : f32 to vector<16xf32>
      %ne3A_59 = arith.cmpf one, %get3A_56, %ne3A_58 : vector<16xf32>
      %jit3A = arith.constant 1.000000e+00 : f32
      %jit3A_60 = arith.constant 0.000000e+00 : f32
      %broadcast_in_dim3A_61 = vector.broadcast %jit3A : f32 to vector<16xf32>
      %broadcast_in_dim3A_62 = vector.broadcast %jit3A_60 : f32 to vector<16xf32>
      %select_n3A = arith.select %ne3A_59, %broadcast_in_dim3A_61, %broadcast_in_dim3A_62 : vector<16xi1>, vector<16xf32>
      %jit3A_63 = arith.constant 1.000000e+00 : f32
      %broadcast_in_dim3A_64 = vector.broadcast %jit3A_63 : f32 to vector<16xf32>
      %select_n3A_65 = arith.select %ne3A_59, %get3A_56, %broadcast_in_dim3A_64 : vector<16xi1>, vector<16xf32>
      %div3A_66 = arith.divf %select_n3A, %select_n3A_65 : vector<16xf32>
      %get3A_67 = arith.index_cast %add3A_54 : i32 to index
      %get3A_68 = tpu.vector_load %arg18[%get3A_67] {strides = array<i32>} : memref<3136xf32, #tpu.memory_space<vmem>>, vector<16xf32>,
      %mul3A_69 = arith.mulf %get3A_68, %div3A_66 : vector<16xf32>
      %swap3A_70 = arith.index_cast %add3A_54 : i32 to index
      %swap3A_71 = tpu.vector_load %arg18[%swap3A_70] {strides = array<i32>} : memref<3136xf32, #tpu.memory_space<vmem>>, vector<16xf32>,
      tpu.vector_store %arg18[%swap3A_70], %mul3A_69 {strides = array<i32>} : memref<3136xf32, #tpu.memory_space<vmem>>, vector<16xf32>,
      %get3A_72 = arith.index_cast %add3A_54 : i32 to index
      %get3A_73 = tpu.vector_load %arg19[%get3A_72] {strides = array<i32>} : memref<3136xf32, #tpu.memory_space<vmem>>, vector<16xf32>,
      %mul3A_74 = arith.mulf %get3A_73, %div3A_66 : vector<16xf32>
      %swap3A_75 = arith.index_cast %add3A_54 : i32 to index
      %swap3A_76 = tpu.vector_load %arg19[%swap3A_75] {strides = array<i32>} : memref<3136xf32, #tpu.memory_space<vmem>>, vector<16xf32>,
      tpu.vector_store %arg19[%swap3A_75], %mul3A_74 {strides = array<i32>} : memref<3136xf32, #tpu.memory_space<vmem>>, vector<16xf32>,
    }
    %scan3A_47 = arith.constant 196 : i32
    "tpu.region"() ({
      %run_scoped3A = tpu.sem_alloc : memref<!tpu.dma_semaphore, #tpu.memory_space<semaphore_mem>>
      %dma_start3A = tpu.memref_slice %arg7[%mul3A_9] : memref<200704xf32, #tpu.memory_space<hbm>> -> memref<3136xf32, #tpu.memory_space<hbm>>
      %dma_start3A_50 = tpu.memref_slice %arg7[%mul3A_9] : memref<200704xf32, #tpu.memory_space<hbm>> -> memref<3136xf32, #tpu.memory_space<hbm>>
      tpu.enqueue_dma source(%arg18 : memref<3136xf32, #tpu.memory_space<vmem>>) target(%dma_start3A_50 : memref<3136xf32, #tpu.memory_space<hbm>>) target_semaphore(%run_scoped3A : memref<!tpu.dma_semaphore, #tpu.memory_space<semaphore_mem>>)
      %dma_wait3A = tpu.memref_slice %arg7[%mul3A_9] : memref<200704xf32, #tpu.memory_space<hbm>> -> memref<3136xf32, #tpu.memory_space<hbm>>
      %dma_wait3A_51 = tpu.memref_slice %arg7[%mul3A_9] : memref<200704xf32, #tpu.memory_space<hbm>> -> memref<3136xf32, #tpu.memory_space<hbm>>
      tpu.wait_dma2 semaphore(%run_scoped3A : memref<!tpu.dma_semaphore, #tpu.memory_space<semaphore_mem>>) src(%arg18 : memref<3136xf32, #tpu.memory_space<vmem>>) dst(%dma_wait3A_51 : memref<3136xf32, #tpu.memory_space<hbm>>)
      tpu.yield
    }) : () -> ()
    %add3A_48 = arith.constant 100352 : i32
    %add3A_49 = arith.addi %add3A_48, %mul3A_9 : i32
    "tpu.region"() ({
      %run_scoped3A = tpu.sem_alloc : memref<!tpu.dma_semaphore, #tpu.memory_space<semaphore_mem>>
      %dma_start3A = tpu.memref_slice %arg7[%add3A_49] : memref<200704xf32, #tpu.memory_space<hbm>> -> memref<3136xf32, #tpu.memory_space<hbm>>
      %dma_start3A_50 = tpu.memref_slice %arg7[%add3A_49] : memref<200704xf32, #tpu.memory_space<hbm>> -> memref<3136xf32, #tpu.memory_space<hbm>>
      tpu.enqueue_dma source(%arg19 : memref<3136xf32, #tpu.memory_space<vmem>>) target(%dma_start3A_50 : memref<3136xf32, #tpu.memory_space<hbm>>) target_semaphore(%run_scoped3A : memref<!tpu.dma_semaphore, #tpu.memory_space<semaphore_mem>>)
      %dma_wait3A = tpu.memref_slice %arg7[%add3A_49] : memref<200704xf32, #tpu.memory_space<hbm>> -> memref<3136xf32, #tpu.memory_space<hbm>>
      %dma_wait3A_51 = tpu.memref_slice %arg7[%add3A_49] : memref<200704xf32, #tpu.memory_space<hbm>> -> memref<3136xf32, #tpu.memory_space<hbm>>
      tpu.wait_dma2 semaphore(%run_scoped3A : memref<!tpu.dma_semaphore, #tpu.memory_space<semaphore_mem>>) src(%arg19 : memref<3136xf32, #tpu.memory_space<vmem>>) dst(%dma_wait3A_51 : memref<3136xf32, #tpu.memory_space<hbm>>)
      tpu.yield
    }) : () -> ()
    return
  }
}

module attributes {stable_mosaic.version = 14 : i64} {
  func.func @_tc_deint_body(%arg0: i32, %arg1: memref<10240x2xf32, #tpu.memory_space<vmem>>, %arg2: memref<80x128xf32, #tpu.memory_space<vmem>>, %arg3: memref<80x128xf32, #tpu.memory_space<vmem>>) attributes {dimension_semantics = [#tpu.dimension_semantics<arbitrary>], iteration_bounds = array<i64: 625>, scalar_prefetch = 0 : i64, scratch_operands = 0 : i64, tpu.core_type = #tpu.core_type<tc>, window_params = [{transform_indices = @transform_0, window_bounds = array<i64: 10240, 2>}, {transform_indices = @transform_1, window_bounds = array<i64: 80, 128>}, {transform_indices = @transform_2, window_bounds = array<i64: 80, 128>}]} {
    %get3A = arith.constant 0 : index
    %get3A_0 = arith.constant 0 : index
    %get3A_1 = vector.load %arg1[%get3A, %get3A_0] : memref<10240x2xf32, #tpu.memory_space<vmem>>, vector<10240x2xf32>
    %slice3A = vector.extract_strided_slice %get3A_1 {offsets = [0, 0], sizes = [10240, 1], strides = [1, 1]} : vector<10240x2xf32> to vector<10240x1xf32>
    %squeeze3A = vector.shape_cast %slice3A : vector<10240x1xf32> to vector<10240xf32>
    %reshape3A = vector.shape_cast %squeeze3A : vector<10240xf32> to vector<80x128xf32>
    %swap3A = arith.constant 0 : index
    %swap3A_2 = arith.constant 0 : index
    %swap3A_3 = vector.load %arg2[%swap3A, %swap3A_2] : memref<80x128xf32, #tpu.memory_space<vmem>>, vector<80x128xf32>
    tpu.vector_store %arg2[%swap3A, %swap3A_2], %reshape3A {strides = array<i32>} : memref<80x128xf32, #tpu.memory_space<vmem>>, vector<80x128xf32>,
    %slice3A_4 = vector.extract_strided_slice %get3A_1 {offsets = [0, 1], sizes = [10240, 1], strides = [1, 1]} : vector<10240x2xf32> to vector<10240x1xf32>
    %squeeze3A_5 = vector.shape_cast %slice3A_4 : vector<10240x1xf32> to vector<10240xf32>
    %reshape3A_6 = vector.shape_cast %squeeze3A_5 : vector<10240xf32> to vector<80x128xf32>
    %swap3A_7 = arith.constant 0 : index
    %swap3A_8 = arith.constant 0 : index
    %swap3A_9 = vector.load %arg3[%swap3A_7, %swap3A_8] : memref<80x128xf32, #tpu.memory_space<vmem>>, vector<80x128xf32>
    tpu.vector_store %arg3[%swap3A_7, %swap3A_8], %reshape3A_6 {strides = array<i32>} : memref<80x128xf32, #tpu.memory_space<vmem>>, vector<80x128xf32>,
    return
  }
  func.func @transform_0(%arg0: i32) -> (i32, i32) {
    %c0_i32 = arith.constant 0 : i32
    %c0_i32_0 = arith.constant 0 : i32
    return %arg0, %c0_i32 : i32, i32
  }
  func.func @transform_1(%arg0: i32) -> (i32, i32) {
    %c0_i32 = arith.constant 0 : i32
    %c0_i32_0 = arith.constant 0 : i32
    return %arg0, %c0_i32 : i32, i32
  }
  func.func @transform_2(%arg0: i32) -> (i32, i32) {
    %c0_i32 = arith.constant 0 : i32
    %c0_i32_0 = arith.constant 0 : i32
    return %arg0, %c0_i32 : i32, i32
  }
}

module attributes {stable_mosaic.version = 14 : i64} {
  func.func @_tc_head_body(%arg0: i32, %arg1: memref<4000x256xf32, #tpu.memory_space<vmem>>, %arg2: memref<1x256xf32, #tpu.memory_space<vmem>>, %arg3: memref<4000x1xf32, #tpu.memory_space<vmem>>, %arg4: memref<1x2xf32, #tpu.memory_space<vmem>>, %arg5: memref<4000x1xf32, #tpu.memory_space<vmem>>, %arg6: memref<4000x1xf32, #tpu.memory_space<vmem>>) attributes {dimension_semantics = [#tpu.dimension_semantics<arbitrary>], iteration_bounds = array<i64: 25>, scalar_prefetch = 0 : i64, scratch_operands = 0 : i64, tpu.core_type = #tpu.core_type<tc>, window_params = [{transform_indices = @transform_0, window_bounds = array<i64: 4000, 256>}, {pipeline_mode = #tpu.pipeline_mode<synchronous>, transform_indices = @transform_1, window_bounds = array<i64: 1, 256>}, {transform_indices = @transform_2, window_bounds = array<i64: 4000, 1>}, {pipeline_mode = #tpu.pipeline_mode<synchronous>, transform_indices = @transform_3, window_bounds = array<i64: 1, 2>}, {transform_indices = @transform_4, window_bounds = array<i64: 4000, 1>}, {transform_indices = @transform_5, window_bounds = array<i64: 4000, 1>}]} {
    %get3A = arith.constant 0 : index
    %get3A_0 = arith.constant 0 : index
    %get3A_1 = vector.load %arg1[%get3A, %get3A_0] : memref<4000x256xf32, #tpu.memory_space<vmem>>, vector<4000x256xf32>
    %get3A_2 = arith.constant 0 : index
    %get3A_3 = arith.constant 0 : index
    %get3A_4 = vector.load %arg2[%get3A_2, %get3A_3] : memref<1x256xf32, #tpu.memory_space<vmem>>, vector<1x256xf32>
    %mul3A = vector.broadcast %get3A_4 : vector<1x256xf32> to vector<4000x256xf32>
    %mul3A_5 = arith.mulf %get3A_1, %mul3A : vector<4000x256xf32>
    %reduce_sum3A = arith.constant dense<0.000000e+00> : vector<4000xf32>
    %reduce_sum3A_6 = vector.multi_reduction <add>, %mul3A_5, %reduce_sum3A [1] : vector<4000x256xf32> to vector<4000xf32>
    %broadcast_in_dim3A = vector.shape_cast %reduce_sum3A_6 : vector<4000xf32> to vector<4000x1xf32>
    %get3A_7 = arith.constant 0 : index
    %get3A_8 = arith.constant 0 : index
    %get3A_9 = vector.load %arg4[%get3A_7, %get3A_8] : memref<1x2xf32, #tpu.memory_space<vmem>>, vector<1x1xf32>
    %get3A_10 = vector.extract %get3A_9[0, 0] : f32 from vector<1x1xf32>
    %get3A_11 = arith.constant 0 : index
    %get3A_12 = arith.constant 1 : index
    %get3A_13 = vector.load %arg4[%get3A_11, %get3A_12] : memref<1x2xf32, #tpu.memory_space<vmem>>, vector<1x1xf32>
    %get3A_14 = vector.extract %get3A_13[0, 0] : f32 from vector<1x1xf32>
    %add3A = vector.broadcast %get3A_10 : f32 to vector<4000x1xf32>
    %add3A_15 = arith.addf %broadcast_in_dim3A, %add3A : vector<4000x1xf32>
    %tanh3A = math.tanh %add3A_15 : vector<4000x1xf32>
    %mul3A_16 = arith.constant 8.800000e+00 : f32
    %mul3A_17 = vector.broadcast %mul3A_16 : f32 to vector<4000x1xf32>
    %mul3A_18 = arith.mulf %mul3A_17, %tanh3A : vector<4000x1xf32>
    %swap3A = arith.constant 0 : index
    %swap3A_19 = arith.constant 0 : index
    %swap3A_20 = vector.load %arg5[%swap3A, %swap3A_19] : memref<4000x1xf32, #tpu.memory_space<vmem>>, vector<4000x1xf32>
    tpu.vector_store %arg5[%swap3A, %swap3A_19], %mul3A_18 {strides = array<i32>} : memref<4000x1xf32, #tpu.memory_space<vmem>>, vector<4000x1xf32>,
    %get3A_21 = arith.constant 0 : index
    %get3A_22 = arith.constant 0 : index
    %get3A_23 = vector.load %arg3[%get3A_21, %get3A_22] : memref<4000x1xf32, #tpu.memory_space<vmem>>, vector<4000x1xf32>
    %add3A_24 = arith.addf %mul3A_18, %get3A_23 : vector<4000x1xf32>
    %mul3A_25 = vector.broadcast %get3A_14 : f32 to vector<4000x1xf32>
    %mul3A_26 = arith.mulf %add3A_24, %mul3A_25 : vector<4000x1xf32>
    %neg3A = arith.constant 0.000000e+00 : f32
    %neg3A_27 = vector.broadcast %neg3A : f32 to vector<4000x1xf32>
    %neg3A_28 = arith.subf %neg3A_27, %mul3A_26 : vector<4000x1xf32>
    %custom_jvp_call3A = arith.constant 0.000000e+00 : f32
    %max3A = vector.broadcast %custom_jvp_call3A : f32 to vector<4000x1xf32>
    %max3A_29 = arith.maximumf %neg3A_28, %max3A : vector<4000x1xf32>
    %sub3A = vector.broadcast %custom_jvp_call3A : f32 to vector<4000x1xf32>
    %sub3A_30 = arith.subf %neg3A_28, %sub3A : vector<4000x1xf32>
    %ne3A = arith.cmpf one, %sub3A_30, %sub3A_30 : vector<4000x1xf32>
    %add3A_31 = vector.broadcast %custom_jvp_call3A : f32 to vector<4000x1xf32>
    %add3A_32 = arith.addf %neg3A_28, %add3A_31 : vector<4000x1xf32>
    %abs3A = math.absf %sub3A_30 : vector<4000x1xf32>
    %neg3A_33 = arith.constant 0.000000e+00 : f32
    %neg3A_34 = vector.broadcast %neg3A_33 : f32 to vector<4000x1xf32>
    %neg3A_35 = arith.subf %neg3A_34, %abs3A : vector<4000x1xf32>
    %exp3A = math.exp %neg3A_35 : vector<4000x1xf32>
    %log1p3A = math.log1p %exp3A : vector<4000x1xf32>
    %add3A_36 = arith.addf %max3A_29, %log1p3A : vector<4000x1xf32>
    %select_n3A = arith.select %ne3A, %add3A_32, %add3A_36 : vector<4000x1xi1>, vector<4000x1xf32>
    %neg3A_37 = arith.constant 0.000000e+00 : f32
    %neg3A_38 = vector.broadcast %neg3A_37 : f32 to vector<4000x1xf32>
    %neg3A_39 = arith.subf %neg3A_38, %select_n3A : vector<4000x1xf32>
    %swap3A_40 = arith.constant 0 : index
    %swap3A_41 = arith.constant 0 : index
    %swap3A_42 = vector.load %arg6[%swap3A_40, %swap3A_41] : memref<4000x1xf32, #tpu.memory_space<vmem>>, vector<4000x1xf32>
    tpu.vector_store %arg6[%swap3A_40, %swap3A_41], %neg3A_39 {strides = array<i32>} : memref<4000x1xf32, #tpu.memory_space<vmem>>, vector<4000x1xf32>,
    return
  }
  func.func @transform_0(%arg0: i32) -> (i32, i32) {
    %c0_i32 = arith.constant 0 : i32
    %c0_i32_0 = arith.constant 0 : i32
    return %arg0, %c0_i32 : i32, i32
  }
  func.func @transform_1(%arg0: i32) -> (i32, i32) {
    %c0_i32 = arith.constant 0 : i32
    %c0_i32_0 = arith.constant 0 : i32
    %c0_i32_1 = arith.constant 0 : i32
    return %c0_i32, %c0_i32_0 : i32, i32
  }
  func.func @transform_2(%arg0: i32) -> (i32, i32) {
    %c0_i32 = arith.constant 0 : i32
    %c0_i32_0 = arith.constant 0 : i32
    return %arg0, %c0_i32 : i32, i32
  }
  func.func @transform_3(%arg0: i32) -> (i32, i32) {
    %c0_i32 = arith.constant 0 : i32
    %c0_i32_0 = arith.constant 0 : i32
    %c0_i32_1 = arith.constant 0 : i32
    return %c0_i32, %c0_i32_0 : i32, i32
  }
  func.func @transform_4(%arg0: i32) -> (i32, i32) {
    %c0_i32 = arith.constant 0 : i32
    %c0_i32_0 = arith.constant 0 : i32
    return %arg0, %c0_i32 : i32, i32
  }
  func.func @transform_5(%arg0: i32) -> (i32, i32) {
    %c0_i32 = arith.constant 0 : i32
    %c0_i32_0 = arith.constant 0 : i32
    return %arg0, %c0_i32 : i32, i32
  }
}

</mosaic_0001>

<sc_bundles>
// kernel: kernel.5.cloned.1.call-start
scs
__scs_entry_jumppad:
0x0: {  	(pc) =	sbr.rel $0x88, $3  }
0x1: {  	(tag) =	ssettag $0x0;
	lr =	simm.s32 $0x1  }
0x2: {  	[smem:$0x3F9A] =	sst lr;
	_ =	strace $0xD0000000  }
0x3: {  	_ = 	snop  }
0x4: {  	_ = 	snop  }
0x5: {  	_ = 	snop  }
0x6: {  	_ = 	snop  }
0x7: {  	_ = 	snop  }
__scs_overlays_trampoline_lowered:
0x8: {  	[smem:$0x3FA9] =	sst s0  }
0x9: {  	[smem:$0x3FAA] =	sst s1  }
0xa: {  	[smem:$0x3FAB] =	sst s2  }
0xb: {  	[smem:$0x3FAC] =	sst s3  }
0xc: {  	[smem:$0x3FAD] =	sst s4  }
0xd: {  	[smem:$0x3FAE] =	sst s5  }
0xe: {  	[smem:$0x3FAF] =	sst s6  }
0xf: {  	[smem:$0x3FB0] =	sst s7  }
0x10: {  	[smem:$0x3FB1] =	sst s8  }
0x11: {  	[smem:$0x3FB2] =	sst s9;
	s0 =	simm.s32 @!p0 $0x0  }
0x12: {  	s1 =	sld [smem:$0x3F98];
	s0 =	simm.s32 @p0 $0x1  }
0x13: {  	[smem:$0x3FB3] =	sst s0;
	s0 =	simm.s32 @!p1 $0x0  }
0x14: {  	s2 =	sld [smem:$0x3F97];
	s0 =	simm.s32 @p1 $0x1  }
0x15: {  	[smem:$0x3FB4] =	sst s0;
	s0 =	simm.s32 @!p2 $0x0  }
0x16: {  	s3 =	sld [smem:$0x3FDB];
	s0 =	simm.s32 @p2 $0x1  }
0x17: {  	s4 =	simm.s32 $0x1BF5;
	[smem:$0x3FB6] =	sst s0  }
0x18: {  	s0 =	sld [smem:$0x3F99];
	_ =	swait.ge [sflag:s4], $0x0  }
0x19: {  	s7 =	sld [smem:$0x3F9A]  }
0x1a: {  	s8 =	sadd.s32 $0xFFFFE003, lr  }
0x1b: {  	s9 =	sadd.s32 $0xFFFFFEF7, lr;
	s5 =	simm.s32 $0xFFFFFFFF;
	p2 =	slt.u32 s8, $0xFFFFF086  }
0x1c: {  	p1 =	slt.u32 s9, $0xF7A;
	s5 =	simm.s32 @!p2 $0x0  }
0x1d: {  	s5 =	simm.s32 @p1 $0x1;
	p0 =	seq.s32 s7, s2  }
0x1e: {  	s7 =	smul.u32 @!p0 $0xF7A, s2;
	p2 =	seq.s32 @!p0 s5, $0x0  }
0x1f: {  	s9 =	smul.u32 $0xF7A, s1;
	s8 =	simm.s32 @!p0 $0x1BF5;
	p2 =	por !p2, p0  }
0x20: {  	[sflag:s8] =	ssyncset.s32 @!p0 $0xFFFFF086;
	s6 =	sadd.s32 @!p0 s3, s7;
	s7 =	simm.s32 @!p0 $0x108  }
0x21: {  	s3 =	sadd.s32 s3, s9;
	s6 =	sadd.s32 @!p0 $0x88, s6;
	s7 =	simm.s32 @p2 $0x1082  }
0x22: {  	[simem:s7], [sflag:s8] =	dma.local @!p0 [hbm:s6], $0xF7A  }
0x23: {  	s9 =	sor.u32 $0xD0000000, s2;
	s6 =	simm.s32 $0x108;
	_ =	swait.ge @!p0 [sflag:s8], $0x0  }
0x24: {  	s3 =	sadd.s32 $0x88, s3;
	s6 =	simm.s32 @!p1 $0x1082;
	[sflag:s4] =	ssyncset.s32 $0xFFFFF086  }
0x25: {  	[simem:s6], [sflag:s4] =	dma.local [hbm:s3], $0xF7A  }
0x26: {  	[smem:$0x3F9A] =	sst s1;
	(tag) =	ssettag s2;
	_ =	strace s9  }
0x27: {  	s1 =	sld [smem:$0x3FAA]  }
0x28: {  	s2 =	sld [smem:$0x3FAB]  }
0x29: {  	s4 =	sld [smem:$0x3FAD]  }
0x2a: {  	p0 =	seq.s32 s5, $0x0;
	s5 =	sld [smem:$0x3FAE]  }
0x2b: {  	s6 =	sld [smem:$0x3FAF]  }
0x2c: {  	s7 =	sld [smem:$0x3FB0]  }
0x2d: {  	s3 =	simm.s32 $0x108;
	s8 =	sld [smem:$0x3FB1]  }
0x2e: {  	s3 =	simm.s32 @!p0 $0x1082;
	s9 =	sld [smem:$0x3FB2]  }
0x2f: {  	lr =	sadd.s32 s0, s3;
	s0 =	sld [smem:$0x3FA9]  }
0x30: {  	s3 =	sld [smem:$0x3FAC]  }
0x31: {  	[smem:$0x3FB5] =	sst s10  }
0x32: {  	s10 =	sld [smem:$0x3FB3];
	_ =	sdelay $0x3  }
0x33: {  	p0 =	seq.s32 s10, $0x1;
	s10 =	sld [smem:$0x3FB5];
	_ =	sdelay $0x3  }
0x34: {  	[smem:$0x3FB5] =	sst s10  }
0x35: {  	s10 =	sld [smem:$0x3FB4];
	_ =	sdelay $0x3  }
0x36: {  	p1 =	seq.s32 s10, $0x1;
	s10 =	sld [smem:$0x3FB5];
	_ =	sdelay $0x3  }
0x37: {  	[smem:$0x3FB5] =	sst s10  }
0x38: {  	s10 =	sld [smem:$0x3FB6]  }
0x39: {  	_ = 	snop;
	(pc) =	sbr.ind lr, $3  }
0x3a: {  	_ = 	snop  }
0x3b: {  	_ = 	snop  }
0x3c: {  	p2 =	seq.s32 s10, $0x1;
	s10 =	sld [smem:$0x3FB5]  }
0x3d: {  	_ =	shalt  }
0x3e: {  	_ =	shalt  }
0x3f: {  	_ =	shalt  }
0x40: {  	_ =	shalt  }
0x41: {  	_ =	shalt  }
0x42: {  	_ =	shalt  }
0x43: {  	_ =	shalt  }
0x44: {  	_ =	shalt  }
0x45: {  	_ =	shalt  }
0x46: {  	_ =	shalt  }
0x47: {  	_ =	shalt  }
0x48: {  	_ =	shalt  }
0x49: {  	_ =	shalt  }
0x4a: {  	_ =	shalt  }
0x4b: {  	_ =	shalt  }
0x4c: {  	_ =	shalt  }
0x4d: {  	_ =	shalt  }
0x4e: {  	_ =	shalt  }
0x4f: {  	_ =	shalt  }
0x50: {  	_ =	shalt  }
0x51: {  	_ =	shalt  }
0x52: {  	_ =	shalt  }
0x53: {  	_ =	shalt  }
0x54: {  	_ =	shalt  }
0x55: {  	_ =	shalt  }
0x56: {  	_ =	shalt  }
0x57: {  	_ =	shalt  }
0x58: {  	_ =	shalt  }
0x59: {  	_ =	shalt  }
0x5a: {  	_ =	shalt  }
0x5b: {  	_ =	shalt  }
0x5c: {  	_ =	shalt  }
0x5d: {  	_ =	shalt  }
0x5e: {  	_ =	shalt  }
0x5f: {  	_ =	shalt  }
0x60: {  	_ =	shalt  }
0x61: {  	_ =	shalt  }
0x62: {  	_ =	shalt  }
0x63: {  	_ =	shalt  }
0x64: {  	_ =	shalt  }
0x65: {  	_ =	shalt  }
0x66: {  	_ =	shalt  }
0x67: {  	_ =	shalt  }
0x68: {  	_ =	shalt  }
0x69: {  	_ =	shalt  }
0x6a: {  	_ =	shalt  }
0x6b: {  	_ =	shalt  }
0x6c: {  	_ =	shalt  }
0x6d: {  	_ =	shalt  }
0x6e: {  	_ =	shalt  }
0x6f: {  	_ =	shalt  }
0x70: {  	_ =	shalt  }
0x71: {  	_ =	shalt  }
0x72: {  	_ =	shalt  }
0x73: {  	_ =	shalt  }
0x74: {  	_ =	shalt  }
0x75: {  	_ =	shalt  }
0x76: {  	_ =	shalt  }
0x77: {  	_ =	shalt  }
0x78: {  	_ =	shalt  }
0x79: {  	_ =	shalt  }
0x7a: {  	_ =	shalt  }
0x7b: {  	_ =	shalt  }
0x7c: {  	_ =	shalt  }
0x7d: {  	_ =	shalt  }
0x7e: {  	_ =	shalt  }
0x7f: {  	_ =	shalt  }
0x80: {  	_ =	shalt  }
0x81: {  	_ =	shalt  }
0x82: {  	_ =	shalt  }
0x83: {  	_ =	shalt  }
0x84: {  	_ =	shalt  }
0x85: {  	_ =	shalt  }
0x86: {  	_ =	shalt  }
0x87: {  	_ =	shalt  }
.Lfunc_end0:
.L_simem_size_0:
called_computation_lowered:
.L_overlay_start_0:
0x88: {  	s2 =	sld [smem:$0x3FD9]  }
0x89: {  	s3 =	sld [smem:$0x3FFE];
	_ =	sdelay $0x1  }
0x8a: {  	s1 =	srdreg.scid  }
0x8b: {  	s0 =	sand.u32 $0x1, s1  }
0x8c: {  	s14 =	sshll.u32 s0, $0xA;
	s2 =	sadd.s32 s3, s2  }
0x8d: {  	s2 =	sadd.s32 s2, s14  }
0x8e: {  	[smem:$0x3FC1] =	sst s2  }
0x8f: {  	_ = 	snop  }
0x90: {  	s2 =	sld [smem:$0x3FD0];
	_ =	sdelay $0x1  }
0x91: {  	s15 =	sld [smem:$0x3FC7]  }
0x92: {  	s5 =	simm.s32 $0xA;
	s6 =	simm.s32 $0x10;
	s4 =	sld [smem:$0x3FC6]  }
0x93: {  	[smem:s6], [sflag:s5] =	dma.local [hbm:s2], $0x1  }
0x94: {  	_ =	swait.eq [sflag:s5], $0x1  }
0x95: {  	[sflag:s5] =	ssyncset.done $0x0  }
0x96: {  	[sflag:s5] =	ssyncadd.s32 $0xFFFFFFFF  }
0x97: {  	s16 =	sld [smem:$0x12];
	(tm) =	ssettm $0x1  }
0x98: {  	s17 =	sld [smem:$0x3FFB];
	_ =	sdelay $0x3  }
0x99: {  	_ =	strace s17  }
0x9a: {  	s5 =	sld [smem:$0x3FFC];
	_ =	sdelay $0x3  }
0x9b: {  	_ =	strace s5  }
0x9c: {  	s5 =	sld [smem:$0x3FFD];
	_ =	sdelay $0x3  }
0x9d: {  	_ =	strace s5  }
0x9e: {  	_ =	strace $0x8FFFFFFF  }
0x9f: {  	s18 =	sld [smem:$0x3FDB];
	_ =	sdelay $0x1  }
0xa0: {  	s19 =	simm.s32 $_scs_section_size  }
0xa1: {  	s7 =	simm.s32 $_size__tile_overlayer_lowered;
	s8 =	simm.s32 $_tile_overlayer_lowered  }
0xa2: {  	s22 =	simm.s32 $0x1BFF;
	s21 =	sshll.u32 s8, $0x1;
	s5 =	sadd.s32 s19, s18  }
0xa3: {  	s9 =	simm.s32 $0x0;
	s20 =	sshll.u32 s7, $0x1;
	s7 =	sadd.s32 s21, s5  }
0xa4: {  	[timem:s9], [sflag:s22] =	dma.local [hbm:s7], s20  }
0xa5: {  	_ =	swait.ge [sflag:s22], s20  }
0xa6: {  	s6 =	ssub.s32 $0x0, s20;
	[sflag:s22] =	ssyncset.done $0x0  }
0xa7: {  	[sflag:s22] =	ssyncadd.s32 s6;
	_ =	sdelay $0x1  }
0xa8: {  	s23 =	simm.s32 $0x1B8B  }
0xa9: {  	_ =	swait.ge [sflag:s23], $0x1  }
0xaa: {  	[sflag:s23] =	ssyncset.done $0x0  }
0xab: {  	s25 =	simm.s32 $0x1B8E;
	s24 =	sld [smem:$0x3FFE];
	[sflag:s23] =	ssyncadd.s32 $0xFFFFFFFF  }
0xac: {  	s26 =	simm.s32 $execute0_lowered;
	[smem:$0x3FD2] =	sst s25  }
0xad: {  	s7 =	sshll.u32 s26, $0x1;
	_ =	strace $0x80000046;
	[dreg:$0x1] =	wrdreg $0xFFFFFFFF  }
0xae: {  	s28 =	simm.s32 $_size_execute0_lowered;
	s5 =	sadd.s32 s5, s7;
	[dreg:$0x0] =	wrdreg $0x0  }
0xaf: {  	s7 =	sshll.u32 s28, $0x1;
	[dreg:$0x2] =	wrdreg s5  }
0xb0: {  	[dreg:$0x3] =	wrdreg s7  }
0xb1: {  	[dreg:$0x4] =	wrdreg $0xC0  }
0xb2: {  	_ =	task [dreg:s9], $0x5FFFF  }
0xb3: {  	[dreg:$0x1] =	wrdreg $0xFFFFFFFF  }
0xb4: {  	[dreg:$0x0] =	wrdreg $0x60  }
0xb5: {  	[dreg:$0x2] =	wrdreg s15  }
0xb6: {  	[dreg:$0x3] =	wrdreg s24  }
0xb7: {  	[dreg:$0x4] =	wrdreg s4  }
0xb8: {  	[dreg:$0x5] =	wrdreg s16  }
0xb9: {  	[dreg:$0x6] =	wrdreg $0x9  }
0xba: {  	_ =	task.clear_ibuf [dreg:s9], $0x7FFFF;
	_ =	strace $0x90000046  }
0xbb: {  	s29 =	simm.s32 $0x9;
	_ =	strace $0x80000048  }
0xbc: {  	_ =	swait.ge [sflag:s29], $0x1  }
0xbd: {  	[sflag:s29] =	ssyncadd.s32 $0xFFFFFFFF  }
0xbe: {  	_ =	strace $0x90000048  }
0xbf: {  	_ =	sfence  }
0xc0: {  	s30 =	sld [smem:$0x0];
	_ =	sdelay $0x2  }
0xc1: {  	s31 =	sshll.u32 s1, $0xD;
	s1 =	sshrl.u32 s1, $0x2  }
0xc2: {  	s3 =	sand.u32 $0x4000, s31;
	s1 =	sadd.s32 s1, s30  }
0xc3: {  	s0 =	sor.u32 s3, s0;
	s1 =	sshll.u32 s1, $0x11  }
0xc4: {  	s0 =	sor.u32 s1, s0  }
0xc5: {  	s0 =	sadd.s32 $0x8F2B, s0  }
0xc6: {  	[sflag:s0] =	ssyncadd.remote.s32 $0x1  }
0xc7: {  	_ =	sfence.sel $0xFFFF  }
0xc8: {  	[dreg:$0x0] =	wrdreg $0xFFFFFFFF;
	(pc) =	sbr.abs _section_cstart, $3  }
0xc9: {  	[dreg:$0x1] =	wrdreg $0xFFFFFFFF  }
0xca: {  	_ =	task.clear_ibuf [dreg:s9], $0x2FFFF;
	_ =	strace $0x9FFFFFFF  }
0xcb: {  	(tm) =	ssettm $0x7FFFFFFF  }
tec
execute0_lowered:
.L_overlay_start_1:
0x0: {  	(tag) =	ssettag $0x1  }
0x1: {  	s0 =	rddreg [dreg:$0x0]  }
0x2: {  	s1 =	srdreg.scid;
	s2 =	rddreg [dreg:$0x1]  }
0x3: {  	s3 =	rddreg [dreg:$0x2];
	s5 =	stileid.u32;
	s6 =	simm.s32 $0x0  }
0x4: {  	s12 =	simm.s32 $0x9;
	s13 =	simm.s32 $0x1;
	s14 =	simm.s32 $0x2  }
0x5: {  	s15 =	simm.s32 $0x3;
	s16 =	simm.s32 $0x4;
	s1 =	sand.u32 $0x1, s1  }
0x6: {  	s17 =	simm.s32 $0xC980;
	s18 =	simm.s32 $0xD600;
	s4 =	sshll.u32 s1, $0x4  }
0x7: {  	s19 =	simm.s32 $0xE280;
	s20 =	simm.s32 $0x5;
	s5 =	sor.u32 s5, s4  }
0x8: {  	s21 =	simm.s32 $0x6;
	s22 =	simm.s32 $0x7;
	s4 =	smul.u32 $0xC40, s5  }
0x9: {  	s23 =	simm.s32 $0x8;
	s24 =	simm.s32 $0x0;
	s1 =	ssub.s32 $0x2, s1  }
0xa: {  	[smem:$0x7FF] =	sst s6;
	s10 =	sshrl.u32 s1, $0x1;
	s8 =	sshrl.u32 s4, $0x3  }
0xb: {  	s7 =	sadd.s32 $0x61A8C00, s2;
	s1 =	ssub.s32 s1, s10;
	s9 =	sadd.s32 s8, s2  }
0xc: {  	v1 =	vimm.f32 $0.0e+00;
	v2 =	vimm.s32 $0xC0000000;
	_ =	strace $0x80000047;
	s11 =	smax.u32 s1, $0x1;
	s31 =	sadd.s32 $0xC00, s9  }
0xd: {  	vm0 =	vcmask $0x3F3C;
	vm1 =	vmmov $0x7fff;
	v0 =	vmov s4;
	s8 =	sadd.s32 $0x626C200, s2;
	s10 =	sadd.s32 $0x3D00, s9;
	[dreg:$0x5] =	wrdreg s31  }
.LBB2_1:
0xe: {  	s1 =	rddreg [dreg:$0x3]  }
0xf: {  	[tilespmem:s6], [sflag:$0x9] =	stream.linear.gather [hbm4b:s1+s6], $0x40, $0x38;
	[tilespmem:$0xEF00] =	vst v63  }
0x10: {  	_ =	swait.ge [sflag:s12], $0x40  }
0x11: {  	[sflag:s12] =	ssyncset.done $0x0  }
0x12: {  	[sflag:s12] =	ssyncadd.s32 $0xFFFFFFC0  }
0x13: {  	v3 =	vld [tilespmem:s5+$0x0]  }
0x14: {  	s2 =	simm.s32 $0x40;
	s1 =	simm.s32 $0x0;
	v4 =	vld [tilespmem:s5+$0x20]  }
.LBB2_2:
0x15: {  	p0 =	sne.s32 s2, $0x30C0;
	[tilespmem:s1+$0xE280] =	vst v1;
	s4 =	smov.u32 s2;
	s2 =	sadd.s32 $0x40, s2  }
.Ltmp0:
0x16: {  	[tilespmem:s1+$0xC980] =	vst v1;
	(pc) =	sbr.rel @p0 .LBB2_2-.Ltmp0, $2  }
0x17: {  	[tilespmem:s1+$0xD600] =	vst v1;
	_ =	sdelay $0x2  }
0x18: {  	s1 =	sshra.s32 s4, $0x2  }
0x19: {  	(v2sf) =	vpush v3, $0x0  }
0x1a: {  	(v2sf) =	vpush v4, $0x0;
	_ =	sdelay $0xd  }
0x1b: {  	[tilespmem:s1+$0xE280] =	vst v1;
	s25 =	spop (v2sf)  }
0x1c: {  	[tilespmem:s1+$0xC980] =	vst v1;
	s26 =	spop (v2sf)  }
0x1d: {  	[tilespmem:s1+$0xD600] =	vst v1;
	p0 =	sle.s32 s26, s25  }
0x1e: {  	[tilespmem:$0x80] =	vst v2;
	s1 =	smul.u32 @!p0 $0x1900, s25  }
0x1f: {  	[tilespmem:$0x1990] =	vst v2  }
0x20: {  	[tilespmem:$0x6500] =	vst v2;
	s1 =	sshrl.u32 @!p0 s1, $0x3  }
0x21: {  	[tilespmem:$0x7E10] =	vst v2;
	s4 =	simm.s32 @!p0 $0x0;
	s9 =	simm.s32 @!p0 $0x90;
	s2 =	sadd.s32 @!p0 s3, s1  }
0x22: {  	[tilespmem:s9], [sflag:$0x1] =	stream.linear.gather @!p0 [hbm4b:s2+s4], $0x1900, $0x38;
	[tilespmem:$0xEF00] =	vst v63  }
0x23: {  	s2 =	sadd.s32 @!p0 s0, s1;
	s9 =	simm.s32 @!p0 $0x1A00  }
0x24: {  	[tilespmem:s9], [sflag:$0x2] =	stream.linear.gather @!p0 [hbm4b:s2+s4], $0x1900, $0x38;
	[tilespmem:$0xEF00] =	vst v63  }
0x25: {  	s2 =	sadd.s32 @!p0 s7, s1;
	s9 =	simm.s32 @!p0 $0x3300  }
0x26: {  	[tilespmem:s9], [sflag:$0x3] =	stream.linear.gather @!p0 [hbm4b:s2+s4], $0x1900, $0x38;
	[tilespmem:$0xEF00] =	vst v63  }
0x27: {  	s31 =	ssub.s32 s26, s25;
	s1 =	sadd.s32 @!p0 s8, s1;
	s2 =	simm.s32 @!p0 $0x4C00  }
0x28: {  	[tilespmem:s2], [sflag:$0x4] =	stream.linear.gather @!p0 [hbm4b:s1+s4], $0x1900, $0x38;
	[tilespmem:$0xEF00] =	vst v63  }
0x29: {  	s1 =	sadd.s32 $0x1, s31  }
0x2a: {  	p0 =	slt.s32 s1, $0x2  }
.Ltmp1:
0x2b: {  	_ = 	snop;
	(pc) =	sbr.rel @p0 .LBB2_12-.Ltmp1, $1  }
0x2c: {  	_ =	sdelay $0x3  }
.Ltmp2:
0x2d: {  	(pc) =	sbr.rel .LBB2_5-.Ltmp2, $4  }
0x2e: {  	_ = 	snop  }
0x2f: {  	s2 =	sshrl.u32 s1, $0x1F  }
0x30: {  	s1 =	sadd.s32 s2, s1  }
0x31: {  	s29 =	simm.s32 $0x0;
	s28 =	sshra.s32 s1, $0x1  }
.LBB2_11:
0x32: {  	s29 =	sadd.s32 $0x1, s29  }
0x33: {  	p0 =	sne.s32 s29, s28  }
.Ltmp3:
0x34: {  	_ = 	snop;
	(pc) =	sbr.rel @!p0 .LBB2_12-.Ltmp3, $1  }
0x35: {  	_ =	sdelay $0x3  }
.LBB2_5:
0x36: {  	s1 =	sshll.u32 s29, $0x1  }
0x37: {  	s30 =	sadd.s32 s25, s1  }
0x38: {  	s1 =	sadd.s32 $0x1, s30  }
0x39: {  	p0 =	sge.s32 s1, s26  }
0x3a: {  	s1 =	smul.u32 @!p0 $0x1900, s1;
	_ =	sdelay $0x1  }
0x3b: {  	s1 =	sshrl.u32 @!p0 s1, $0x3  }
0x3c: {  	s4 =	simm.s32 @!p0 $0x0;
	s9 =	simm.s32 @!p0 $0x6510;
	s2 =	sadd.s32 @!p0 s3, s1  }
0x3d: {  	[tilespmem:s9], [sflag:$0x5] =	stream.linear.gather @!p0 [hbm4b:s2+s4], $0x1900, $0x38;
	[tilespmem:$0xEF00] =	vst v63  }
0x3e: {  	s2 =	sadd.s32 @!p0 s0, s1;
	s9 =	simm.s32 @!p0 $0x7E80  }
0x3f: {  	[tilespmem:s9], [sflag:$0x6] =	stream.linear.gather @!p0 [hbm4b:s2+s4], $0x1900, $0x38;
	[tilespmem:$0xEF00] =	vst v63  }
0x40: {  	s2 =	sadd.s32 @!p0 s7, s1;
	s9 =	simm.s32 @!p0 $0x9780  }
0x41: {  	[tilespmem:s9], [sflag:$0x7] =	stream.linear.gather @!p0 [hbm4b:s2+s4], $0x1900, $0x38;
	[tilespmem:$0xEF00] =	vst v63  }
0x42: {  	s1 =	sadd.s32 @!p0 s8, s1;
	s2 =	simm.s32 @!p0 $0xB080  }
0x43: {  	[tilespmem:s2], [sflag:$0x8] =	stream.linear.gather @!p0 [hbm4b:s1+s4], $0x1900, $0x38;
	[tilespmem:$0xEF00] =	vst v63  }
0x44: {  	_ =	swait.ge [sflag:s13], $0x1900  }
0x45: {  	[sflag:s13] =	ssyncset.done $0x0  }
0x46: {  	[sflag:s13] =	ssyncadd.s32 $0xFFFFE700  }
0x47: {  	_ =	swait.ge [sflag:s14], $0x1900  }
0x48: {  	[sflag:s14] =	ssyncset.done $0x0  }
0x49: {  	[sflag:s14] =	ssyncadd.s32 $0xFFFFE700  }
0x4a: {  	_ =	swait.ge [sflag:s15], $0x1900  }
0x4b: {  	[sflag:s15] =	ssyncset.done $0x0  }
0x4c: {  	[sflag:s15] =	ssyncadd.s32 $0xFFFFE700  }
0x4d: {  	_ =	swait.ge [sflag:s16], $0x1900  }
0x4e: {  	[sflag:s16] =	ssyncset.done $0x0  }
0x4f: {  	s4 =	simm.s32 $0x1A10;
	[sflag:s16] =	ssyncadd.s32 $0xFFFFE700  }
0x50: {  	v3 =	vld [tilespmem:s4+$0x0];
	_ =	sdelay $0x1  }
0x51: {  	v4 =	vld [tilespmem:s4+$0xFFFFFFF0];
	_ =	sdelay $0x2  }
0x52: {  	v3 =	vmul.f32 $1.442695020e+00, v3;
	_ =	sdelay $0x1  }
0x53: {  	(erf) = vpow2.f32 v3;
	v3 =	vmul.f32 $1.442695020e+00, v4;
	_ =	sdelay $0x1  }
0x54: {  	(erf) = vpow2.f32 v3;
	_ =	sdelay $0x3  }
0x55: {  	s9 =	simm.s32 $0x4C10  }
0x56: {  	s2 =	simm.s32 $0x91;
	v3 =	vld [tilespmem:s9+$0xFFFFFFF0]  }
0x57: {  	v6 =	vld [tilespmem:s2+$0x10]  }
0x58: {  	v8 =	vld [tilespmem:s9+$0x0];
	s4 =	simm.s32 $0x3310  }
0x59: {  	v11 =	vld [tilespmem:s4+$0xFFFFFFF0];
	v5 =	vpop (erf)  }
0x5a: {  	v4 =	vld [tilespmem:s2+$0xF];
	s9 =	simm.s32 $0x1A30;
	v7 =	vpop (erf)  }
0x5b: {  	v12 =	vld [tilespmem:s9+$0xFFFFFFF0];
	v9 =	vmul.f32 v3, v7  }
0x5c: {  	v13 =	vld [tilespmem:s9+$0x0];
	(xrf2) =	vadd.scan.msk.f32 $0xffff, v5  }
0x5d: {  	(xrf2) =	vadd.scan.msk.f32 $0xffff, v9;
	v9 =	vld [tilespmem:s4+$0x0]  }
0x5e: {  	(xrf2) =	vadd.scan.msk.f32 $0xffff, v7  }
0x5f: {  	v10 =	vld [tilespmem:s2+$0xFFFFFFFF];
	vm3 =	vne.s32 v4, v6;
	v3 =	vsub.s32 v4, v0;
	v11 =	vmul.f32 v7, v11  }
0x60: {  	v15 =	vld [tilespmem:s2+$0x0];
	vm4 =	vmor vm3, vm0;
	vm2 =	vlt.u32 v3, $0xC40  }
0x61: {  	v16 =	vmul.f32 v8, v5;
	v8 =	vmul.f32 $1.442695020e+00, v13;
	vm2 =	vmand vm2, vm4;
	(xrf2) =	vadd.scan.msk.f32 $0xffff, v11  }
0x62: {  	s1 =	simm.s32 $0x3330;
	v13 =	vmul.f32 $1.442695020e+00, v12;
	v14 =	vmul.f32 v5, v9  }
0x63: {  	s31 =	simm.s32 $0xB1;
	v12 =	vld [tilespmem:s1+$0xFFFFFFF0];
	(erf) = vpow2.f32 v8  }
0x64: {  	s2 =	simm.s32 $0x4C30;
	(erf) = vpow2.f32 v13;
	v7 =	vld [tilespmem:s31+$0xFFFFFFFF];
	(xrf2) =	vadd.scan.msk.f32 $0xffff, v14  }
0x65: {  	vm5 =	vne.s32 v10, v15;
	v11 =	vld [tilespmem:s2+$0xFFFFFFF0];
	v5 =	vsub.s32 v10, v0  }
0x66: {  	vm6 =	vmor vm5, vm0;
	v9 =	vld [tilespmem:s2+$0x0];
	v4, _, _ =	vpop (xrf2);
	vm4 =	vlt.u32 v5, $0xC40  }
0x67: {  	[tilespmem:v3+s17+$0x0] =	vst.idx.add.f32.msk vm2, v4;
	vm6 =	vmand vm4, vm6;
	v10, _, _ =	vpop (xrf2)  }
0x68: {  	s9 =	simm.s32 $0x1A50;
	v8 =	vsub.s32 v15, v0;
	s4 =	simm.s32 $0x20;
	v14 =	vld [tilespmem:s1+$0x0];
	(xrf2) =	vadd.scan.msk.f32 $0xffff, v16;
	v13, _, _ =	vpop (xrf2)  }
.LBB2_6:
0x69: {  	v15 =	vld [tilespmem:s9+$0xFFFFFFF0];
	s4 =	sadd.s32 $0x20, s4;
	vm4 =	vlt.u32 v8, $0xC40  }
0x6a: {  	v16 =	vld [tilespmem:s9+$0x0];
	p1 =	slt.u32 s4, $0x18E0;
	v17 =	vsub.s32 v7, v0;
	vm5 =	vmand vm5, vm4  }
0x6b: {  	v19 =	vsub.f32 $0.0e+00, v10;
	vm4 =	vlt.u32 v17, $0xC40;
	v18 =	vld [tilespmem:s31+$0x10];
	vm7 =	vmand vm5, vm1;
	v20, _, _ =	vpop (xrf2)  }
0x6c: {  	v23 =	vsub.s32 v6, v0;
	v21 =	vld [tilespmem:s31+$0xF];
	v22 =	vpop (erf)  }
0x6d: {  	vm5 =	vlt.u32 v23, $0xC40;
	v14 =	vmul.f32 v22, v14;
	v24 =	vmul.f32 v9, v22;
	v9 =	vpop (erf);
	[tilespmem:v5+s17+$0x0] =	vst.idx.add.f32.msk vm6, v13  }
0x6e: {  	vm3 =	vmand vm3, vm5;
	v13 =	vsub.f32 $0.0e+00, v13;
	v25 =	vld [tilespmem:s31+$0x0];
	(xrf2) =	vadd.scan.msk.f32 $0xffff, v22;
	v22, _, _ =	vpop (xrf2)  }
0x6f: {  	vm8 =	vmand vm3, vm1;
	v12 =	vmul.f32 v9, v12;
	v11 =	vmul.f32 v11, v9;
	[tilespmem:v5+s18+$0x0] =	vst.idx.add.f32.msk vm6, v20  }
0x70: {  	[tilespmem:v5+s19+$0x0] =	vst.idx.add.f32.msk vm6, v10;
	v5 =	vmov v17;
	v6 =	vmov v18  }
0x71: {  	v10 =	vsub.s32 v21, v0;
	vm3 =	vne.s32 v21, v6;
	(xrf2) =	vadd.scan.msk.f32 $0xffff, v11;
	[tilespmem:v8+s17+$0x0] =	vst.idx.add.f32.msk vm7, v13  }
0x72: {  	v11 =	vsub.f32 $0.0e+00, v20;
	vm6 =	vlt.u32 v10, $0xC40;
	vm9 =	vmor vm3, vm0;
	[tilespmem:v3+s18+$0x0] =	vst.idx.add.f32.msk vm2, v22;
	v13, _, _ =	vpop (xrf2)  }
0x73: {  	v4 =	vsub.f32 $0.0e+00, v4;
	vm5 =	vne.s32 v7, v25;
	[tilespmem:v3+s19+$0x0] =	vst.idx.add.f32.msk vm2, v13;
	vm2 =	vmand vm6, vm9;
	v3 =	vmovc v10  }
0x74: {  	v7 =	vsub.f32 $0.0e+00, v22;
	vm6 =	vmor vm5, vm0;
	(xrf2) =	vadd.scan.msk.f32 $0xffff, v9;
	[tilespmem:v8+s18+$0x0] =	vst.idx.add.f32.msk vm7, v11  }
0x75: {  	v9 =	vsub.f32 $0.0e+00, v13;
	[tilespmem:v23+s17+$0x0] =	vst.idx.add.f32.msk vm8, v4  }
0x76: {  	[tilespmem:v8+s19+$0x0] =	vst.idx.add.f32.msk vm7, v19  }
0x77: {  	v8 =	vmul.f32 $1.442695020e+00, v16;
	(xrf2) =	vadd.scan.msk.f32 $0xffff, v12;
	[tilespmem:v23+s18+$0x0] =	vst.idx.add.f32.msk vm8, v7  }
0x78: {  	v7 =	vmul.f32 $1.442695020e+00, v15;
	v4, _, _ =	vpop (xrf2);
	[tilespmem:v23+s19+$0x0] =	vst.idx.add.f32.msk vm8, v9  }
0x79: {  	s2 =	sadd.s32 $0x20, s2;
	(erf) = vpow2.f32 v8;
	[tilespmem:v10+s17+$0x0] =	vst.idx.add.f32.msk vm2, v4  }
.Ltmp4:
0x7a: {  	s31 =	sadd.s32 $0x20, s31;
	v9 =	vld [tilespmem:s2+$0x0];
	(erf) = vpow2.f32 v7;
	(xrf2) =	vadd.scan.msk.f32 $0xffff, v14;
	(pc) =	sbr.rel @p1 .LBB2_6-.Ltmp4, $4  }
0x7b: {  	v7 =	vld [tilespmem:s31+$0xFFFFFFFF];
	v10, _, _ =	vpop (xrf2)  }
0x7c: {  	s1 =	sadd.s32 $0x20, s1;
	v11 =	vld [tilespmem:s2+$0xFFFFFFF0]  }
0x7d: {  	vm6 =	vmand vm4, vm6;
	v12 =	vld [tilespmem:s1+$0xFFFFFFF0]  }
0x7e: {  	s9 =	sadd.s32 $0x20, s9;
	v8 =	vsub.s32 v25, v0;
	v14 =	vld [tilespmem:s1+$0x0];
	v13, _, _ =	vpop (xrf2);
	(xrf2) =	vadd.scan.msk.f32 $0xffff, v24  }
0x7f: {  	_ =	sdelay $0x2  }
0x80: {  	vm4 =	vlt.u32 v8, $0xC40;
	v15 =	vld [tilespmem:s31+$0x10];
	v16 =	vpop (erf)  }
0x81: {  	v18 =	vld [tilespmem:s31+$0xF];
	v6 =	vsub.s32 v6, v0;
	vm4 =	vmand vm5, vm4;
	v19 =	vpop (erf)  }
0x82: {  	v20 =	vsub.f32 $0.0e+00, v10;
	v21 =	vld [tilespmem:s31+$0x0];
	vm4 =	vmand vm4, vm1;
	v11 =	vmul.f32 v11, v19  }
0x83: {  	[tilespmem:v5+s17+$0x0] =	vst.idx.add.f32.msk vm6, v13;
	v47 =	vsub.f32 $0.0e+00, v13;
	vm7 =	vlt.u32 v6, $0xC40;
	(xrf2) =	vadd.scan.msk.f32 $0xffff, v16  }
0x84: {  	v17 =	vsub.s32 v7, v0;
	v22, _, _ =	vpop (xrf2);
	vm3 =	vmand vm3, vm7;
	v12 =	vmul.f32 v19, v12;
	(xrf2) =	vadd.scan.msk.f32 $0xffff, v11  }
0x85: {  	[tilespmem:v5+s18+$0x0] =	vst.idx.add.f32.msk vm6, v22;
	vm7 =	vmand vm3, vm1;
	v14 =	vmul.f32 v16, v14;
	(xrf2) =	vadd.scan.msk.f32 $0xffff, v19  }
0x86: {  	[tilespmem:v5+s19+$0x0] =	vst.idx.add.f32.msk vm6, v10;
	v9 =	vmul.f32 v9, v16;
	v48 =	vsub.s32 v18, v0;
	v49, _, _ =	vpop (xrf2);
	(xrf2) =	vadd.scan.msk.f32 $0xffff, v12  }
0x87: {  	v50 =	vsub.f32 $0.0e+00, v22;
	vm3 =	vne.s32 v18, v15;
	vm9 =	vne.s32 v7, v21;
	[tilespmem:v3+s18+$0x0] =	vst.idx.add.f32.msk vm2, v49  }
0x88: {  	vm12 =	vlt.u32 v48, $0xC40;
	vm8 =	vmor vm3, vm0;
	[tilespmem:v8+s17+$0x0] =	vst.idx.add.f32.msk vm4, v47;
	v51, _, _ =	vpop (xrf2);
	(xrf2) =	vadd.scan.msk.f32 $0xffff, v14  }
0x89: {  	vm15 =	vlt.u32 v17, $0xC40;
	vm6 =	vmand vm12, vm8;
	[tilespmem:v3+s19+$0x0] =	vst.idx.add.f32.msk vm2, v51;
	vm2 =	vmor vm9, vm0  }
0x8a: {  	[tilespmem:v8+s18+$0x0] =	vst.idx.add.f32.msk vm4, v50;
	v3 =	vsub.f32 $0.0e+00, v4;
	vm2 =	vmand vm15, vm2;
	(xrf2) =	vadd.scan.msk.f32 $0xffff, v9  }
0x8b: {  	v52 =	vsub.s32 v21, v0;
	v53 =	vsub.f32 $0.0e+00, v49;
	[tilespmem:v8+s19+$0x0] =	vst.idx.add.f32.msk vm4, v20  }
0x8c: {  	vm13 =	vlt.u32 v52, $0xC40;
	[tilespmem:v6+s17+$0x0] =	vst.idx.add.f32.msk vm7, v3;
	v3 =	vsub.f32 $0.0e+00, v51  }
0x8d: {  	vm14 =	vmand vm9, vm13;
	[tilespmem:v6+s18+$0x0] =	vst.idx.add.f32.msk vm7, v53;
	v54, _, _ =	vpop (xrf2)  }
0x8e: {  	vm4 =	vmand vm14, vm1;
	[tilespmem:v6+s19+$0x0] =	vst.idx.add.f32.msk vm7, v3;
	v3 =	vsub.s32 v15, v0;
	v55, _, _ =	vpop (xrf2)  }
0x8f: {  	[tilespmem:v48+s17+$0x0] =	vst.idx.add.f32.msk vm6, v54;
	vm15 =	vlt.u32 v3, $0xC40;
	v56, _, _ =	vpop (xrf2)  }
0x90: {  	vm3 =	vmand vm3, vm15;
	v57, _, _ =	vpop (xrf2);
	[tilespmem:v17+s17+$0x0] =	vst.idx.add.f32.msk vm2, v56  }
0x91: {  	vm3 =	vmand vm3, vm1;
	[tilespmem:v17+s18+$0x0] =	vst.idx.add.f32.msk vm2, v57  }
0x92: {  	v6 =	vsub.f32 $0.0e+00, v56;
	v58, _, _ =	vpop (xrf2);
	[tilespmem:v17+s19+$0x0] =	vst.idx.add.f32.msk vm2, v55  }
0x93: {  	[tilespmem:v48+s18+$0x0] =	vst.idx.add.f32.msk vm6, v58  }
0x94: {  	v59 =	vsub.f32 $0.0e+00, v57;
	v60, _, _ =	vpop (xrf2);
	[tilespmem:v52+s17+$0x0] =	vst.idx.add.f32.msk vm4, v6  }
0x95: {  	s1 =	sadd.s32 $0x2, s30;
	v61 =	vsub.f32 $0.0e+00, v54;
	[tilespmem:v48+s19+$0x0] =	vst.idx.add.f32.msk vm6, v60  }
0x96: {  	p1 =	sge.s32 s1, s26;
	v7 =	vsub.f32 $0.0e+00, v55;
	[tilespmem:v52+s18+$0x0] =	vst.idx.add.f32.msk vm4, v59  }
0x97: {  	s1 =	smul.u32 @!p1 $0x1900, s1;
	v62 =	vsub.f32 $0.0e+00, v58;
	[tilespmem:v3+s17+$0x0] =	vst.idx.add.f32.msk vm3, v61  }
0x98: {  	v63 =	vsub.f32 $0.0e+00, v60;
	[tilespmem:v52+s19+$0x0] =	vst.idx.add.f32.msk vm4, v7  }
0x99: {  	s1 =	sshrl.u32 @!p1 s1, $0x3;
	[tilespmem:v3+s18+$0x0] =	vst.idx.add.f32.msk vm3, v62  }
0x9a: {  	s4 =	simm.s32 @!p1 $0x0;
	s9 =	simm.s32 @!p1 $0x90;
	s2 =	sadd.s32 @!p1 s3, s1;
	[tilespmem:v3+s19+$0x0] =	vst.idx.add.f32.msk vm3, v63  }
0x9b: {  	[tilespmem:s9], [sflag:$0x1] =	stream.linear.gather @!p1 [hbm4b:s2+s4], $0x1900, $0x38;
	[tilespmem:$0xEF00] =	vst v63  }
0x9c: {  	s2 =	sadd.s32 @!p1 s0, s1;
	s9 =	simm.s32 @!p1 $0x1A00  }
0x9d: {  	[tilespmem:s9], [sflag:$0x2] =	stream.linear.gather @!p1 [hbm4b:s2+s4], $0x1900, $0x38;
	[tilespmem:$0xEF00] =	vst v63  }
.Ltmp5:
0x9e: {  	_ = 	snop;
	(pc) =	sbr.rel @p0 .LBB2_11-.Ltmp5, $4  }
0x9f: {  	s2 =	sadd.s32 @!p1 s7, s1;
	s9 =	simm.s32 @!p1 $0x3300  }
0xa0: {  	[tilespmem:s9], [sflag:$0x3] =	stream.linear.gather @!p1 [hbm4b:s2+s4], $0x1900, $0x38;
	[tilespmem:$0xEF00] =	vst v63  }
0xa1: {  	s1 =	sadd.s32 @!p1 s8, s1;
	s2 =	simm.s32 @!p1 $0x4C00  }
0xa2: {  	[tilespmem:s2], [sflag:$0x4] =	stream.linear.gather @!p1 [hbm4b:s1+s4], $0x1900, $0x38;
	[tilespmem:$0xEF00] =	vst v63  }
0xa3: {  	_ =	swait.ge [sflag:s20], $0x1900  }
0xa4: {  	[sflag:s20] =	ssyncset.done $0x0  }
0xa5: {  	[sflag:s20] =	ssyncadd.s32 $0xFFFFE700  }
0xa6: {  	_ =	swait.ge [sflag:s21], $0x1900  }
0xa7: {  	[sflag:s21] =	ssyncset.done $0x0  }
0xa8: {  	[sflag:s21] =	ssyncadd.s32 $0xFFFFE700  }
0xa9: {  	_ =	swait.ge [sflag:s22], $0x1900  }
0xaa: {  	[sflag:s22] =	ssyncset.done $0x0  }
0xab: {  	[sflag:s22] =	ssyncadd.s32 $0xFFFFE700  }
0xac: {  	_ =	swait.ge [sflag:s23], $0x1900  }
0xad: {  	[sflag:s23] =	ssyncset.done $0x0  }
0xae: {  	s1 =	simm.s32 $0x7E90;
	[sflag:s23] =	ssyncadd.s32 $0xFFFFE700  }
0xaf: {  	v3 =	vld [tilespmem:s1+$0x0];
	_ =	sdelay $0x1  }
0xb0: {  	v4 =	vld [tilespmem:s1+$0xFFFFFFF0];
	_ =	sdelay $0x2  }
0xb1: {  	v3 =	vmul.f32 $1.442695020e+00, v3;
	_ =	sdelay $0x1  }
0xb2: {  	(erf) = vpow2.f32 v3;
	v3 =	vmul.f32 $1.442695020e+00, v4;
	_ =	sdelay $0x1  }
0xb3: {  	(erf) = vpow2.f32 v3;
	_ =	sdelay $0x3  }
0xb4: {  	s4 =	simm.s32 $0xB090  }
0xb5: {  	s2 =	simm.s32 $0x6511;
	v3 =	vld [tilespmem:s4+$0xFFFFFFF0]  }
0xb6: {  	v6 =	vld [tilespmem:s2+$0x10]  }
0xb7: {  	s9 =	simm.s32 $0x9790;
	v8 =	vld [tilespmem:s4+$0x0]  }
0xb8: {  	v11 =	vld [tilespmem:s9+$0xFFFFFFF0];
	v5 =	vpop (erf)  }
0xb9: {  	s31 =	simm.s32 $0x7EB0;
	v4 =	vld [tilespmem:s2+$0xF];
	v7 =	vpop (erf)  }
0xba: {  	v12 =	vld [tilespmem:s31+$0xFFFFFFF0];
	v9 =	vmul.f32 v3, v7  }
0xbb: {  	v13 =	vld [tilespmem:s31+$0x0];
	(xrf2) =	vadd.scan.msk.f32 $0xffff, v5  }
0xbc: {  	(xrf2) =	vadd.scan.msk.f32 $0xffff, v9;
	v9 =	vld [tilespmem:s9+$0x0]  }
0xbd: {  	(xrf2) =	vadd.scan.msk.f32 $0xffff, v7  }
0xbe: {  	v10 =	vld [tilespmem:s2+$0xFFFFFFFF];
	vm3 =	vne.s32 v4, v6;
	v3 =	vsub.s32 v4, v0;
	v11 =	vmul.f32 v7, v11  }
0xbf: {  	v15 =	vld [tilespmem:s2+$0x0];
	vm4 =	vmor vm3, vm0;
	vm2 =	vlt.u32 v3, $0xC40  }
0xc0: {  	v16 =	vmul.f32 v8, v5;
	v8 =	vmul.f32 $1.442695020e+00, v13;
	vm2 =	vmand vm2, vm4;
	(xrf2) =	vadd.scan.msk.f32 $0xffff, v11  }
0xc1: {  	s1 =	simm.s32 $0x97B0;
	v13 =	vmul.f32 $1.442695020e+00, v12;
	v14 =	vmul.f32 v5, v9  }
0xc2: {  	s30 =	simm.s32 $0x6531;
	v12 =	vld [tilespmem:s1+$0xFFFFFFF0];
	(erf) = vpow2.f32 v8  }
0xc3: {  	s2 =	simm.s32 $0xB0B0;
	(erf) = vpow2.f32 v13;
	v7 =	vld [tilespmem:s30+$0xFFFFFFFF];
	(xrf2) =	vadd.scan.msk.f32 $0xffff, v14  }
0xc4: {  	vm5 =	vne.s32 v10, v15;
	v11 =	vld [tilespmem:s2+$0xFFFFFFF0];
	v5 =	vsub.s32 v10, v0  }
0xc5: {  	vm6 =	vmor vm5, vm0;
	v9 =	vld [tilespmem:s2+$0x0];
	v4, _, _ =	vpop (xrf2);
	vm4 =	vlt.u32 v5, $0xC40  }
0xc6: {  	[tilespmem:v3+s17+$0x0] =	vst.idx.add.f32.msk vm2, v4;
	vm6 =	vmand vm4, vm6;
	v10, _, _ =	vpop (xrf2)  }
0xc7: {  	s4 =	simm.s32 $0x20;
	v8 =	vsub.s32 v15, v0;
	s9 =	simm.s32 $0x7ED0;
	v14 =	vld [tilespmem:s1+$0x0];
	(xrf2) =	vadd.scan.msk.f32 $0xffff, v16;
	v13, _, _ =	vpop (xrf2)  }
.LBB2_9:
0xc8: {  	v15 =	vld [tilespmem:s9+$0xFFFFFFF0];
	s4 =	sadd.s32 $0x20, s4;
	vm4 =	vlt.u32 v8, $0xC40  }
0xc9: {  	v16 =	vld [tilespmem:s9+$0x0];
	p0 =	slt.u32 s4, $0x18E0;
	v17 =	vsub.s32 v7, v0;
	vm5 =	vmand vm5, vm4  }
0xca: {  	v19 =	vsub.f32 $0.0e+00, v10;
	vm4 =	vlt.u32 v17, $0xC40;
	v18 =	vld [tilespmem:s30+$0x10];
	vm7 =	vmand vm5, vm1;
	v20, _, _ =	vpop (xrf2)  }
0xcb: {  	v23 =	vsub.s32 v6, v0;
	v21 =	vld [tilespmem:s30+$0xF];
	v22 =	vpop (erf)  }
0xcc: {  	vm5 =	vlt.u32 v23, $0xC40;
	v14 =	vmul.f32 v22, v14;
	v24 =	vmul.f32 v9, v22;
	v9 =	vpop (erf);
	[tilespmem:v5+s17+$0x0] =	vst.idx.add.f32.msk vm6, v13  }
0xcd: {  	vm3 =	vmand vm3, vm5;
	v13 =	vsub.f32 $0.0e+00, v13;
	v25 =	vld [tilespmem:s30+$0x0];
	(xrf2) =	vadd.scan.msk.f32 $0xffff, v22;
	v22, _, _ =	vpop (xrf2)  }
0xce: {  	vm8 =	vmand vm3, vm1;
	v12 =	vmul.f32 v9, v12;
	v11 =	vmul.f32 v11, v9;
	[tilespmem:v5+s18+$0x0] =	vst.idx.add.f32.msk vm6, v20  }
0xcf: {  	[tilespmem:v5+s19+$0x0] =	vst.idx.add.f32.msk vm6, v10;
	v5 =	vmov v17;
	v6 =	vmov v18  }
0xd0: {  	v10 =	vsub.s32 v21, v0;
	vm3 =	vne.s32 v21, v6;
	(xrf2) =	vadd.scan.msk.f32 $0xffff, v11;
	[tilespmem:v8+s17+$0x0] =	vst.idx.add.f32.msk vm7, v13  }
0xd1: {  	v11 =	vsub.f32 $0.0e+00, v20;
	vm6 =	vlt.u32 v10, $0xC40;
	vm9 =	vmor vm3, vm0;
	[tilespmem:v3+s18+$0x0] =	vst.idx.add.f32.msk vm2, v22;
	v13, _, _ =	vpop (xrf2)  }
0xd2: {  	v4 =	vsub.f32 $0.0e+00, v4;
	vm5 =	vne.s32 v7, v25;
	[tilespmem:v3+s19+$0x0] =	vst.idx.add.f32.msk vm2, v13;
	vm2 =	vmand vm6, vm9;
	v3 =	vmovc v10  }
0xd3: {  	v7 =	vsub.f32 $0.0e+00, v22;
	vm6 =	vmor vm5, vm0;
	(xrf2) =	vadd.scan.msk.f32 $0xffff, v9;
	[tilespmem:v8+s18+$0x0] =	vst.idx.add.f32.msk vm7, v11  }
0xd4: {  	v9 =	vsub.f32 $0.0e+00, v13;
	[tilespmem:v23+s17+$0x0] =	vst.idx.add.f32.msk vm8, v4  }
0xd5: {  	[tilespmem:v8+s19+$0x0] =	vst.idx.add.f32.msk vm7, v19  }
0xd6: {  	v8 =	vmul.f32 $1.442695020e+00, v16;
	(xrf2) =	vadd.scan.msk.f32 $0xffff, v12;
	[tilespmem:v23+s18+$0x0] =	vst.idx.add.f32.msk vm8, v7  }
0xd7: {  	v7 =	vmul.f32 $1.442695020e+00, v15;
	v4, _, _ =	vpop (xrf2);
	[tilespmem:v23+s19+$0x0] =	vst.idx.add.f32.msk vm8, v9  }
0xd8: {  	s2 =	sadd.s32 $0x20, s2;
	(erf) = vpow2.f32 v8;
	[tilespmem:v10+s17+$0x0] =	vst.idx.add.f32.msk vm2, v4  }
.Ltmp6:
0xd9: {  	s30 =	sadd.s32 $0x20, s30;
	v9 =	vld [tilespmem:s2+$0x0];
	(erf) = vpow2.f32 v7;
	(xrf2) =	vadd.scan.msk.f32 $0xffff, v14;
	(pc) =	sbr.rel @p0 .LBB2_9-.Ltmp6, $4  }
0xda: {  	v7 =	vld [tilespmem:s30+$0xFFFFFFFF];
	v10, _, _ =	vpop (xrf2)  }
0xdb: {  	s1 =	sadd.s32 $0x20, s1;
	v11 =	vld [tilespmem:s2+$0xFFFFFFF0]  }
0xdc: {  	vm6 =	vmand vm4, vm6;
	v12 =	vld [tilespmem:s1+$0xFFFFFFF0]  }
0xdd: {  	s9 =	sadd.s32 $0x20, s9;
	v8 =	vsub.s32 v25, v0;
	v14 =	vld [tilespmem:s1+$0x0];
	v13, _, _ =	vpop (xrf2);
	(xrf2) =	vadd.scan.msk.f32 $0xffff, v24  }
0xde: {  	_ =	sdelay $0x2  }
0xdf: {  	vm4 =	vlt.u32 v8, $0xC40;
	v15 =	vld [tilespmem:s30+$0x10];
	v16 =	vpop (erf)  }
0xe0: {  	v18 =	vld [tilespmem:s30+$0xF];
	v6 =	vsub.s32 v6, v0;
	vm4 =	vmand vm5, vm4;
	v19 =	vpop (erf)  }
0xe1: {  	v20 =	vsub.f32 $0.0e+00, v10;
	v21 =	vld [tilespmem:s30+$0x0];
	vm4 =	vmand vm4, vm1;
	v11 =	vmul.f32 v11, v19  }
0xe2: {  	[tilespmem:v5+s17+$0x0] =	vst.idx.add.f32.msk vm6, v13;
	v47 =	vsub.f32 $0.0e+00, v13;
	vm7 =	vlt.u32 v6, $0xC40;
	(xrf2) =	vadd.scan.msk.f32 $0xffff, v16  }
0xe3: {  	v17 =	vsub.s32 v7, v0;
	v22, _, _ =	vpop (xrf2);
	vm3 =	vmand vm3, vm7;
	v12 =	vmul.f32 v19, v12;
	(xrf2) =	vadd.scan.msk.f32 $0xffff, v11  }
0xe4: {  	[tilespmem:v5+s18+$0x0] =	vst.idx.add.f32.msk vm6, v22;
	vm7 =	vmand vm3, vm1;
	v14 =	vmul.f32 v16, v14;
	(xrf2) =	vadd.scan.msk.f32 $0xffff, v19  }
0xe5: {  	[tilespmem:v5+s19+$0x0] =	vst.idx.add.f32.msk vm6, v10;
	v9 =	vmul.f32 v9, v16;
	v48 =	vsub.s32 v18, v0;
	v49, _, _ =	vpop (xrf2);
	(xrf2) =	vadd.scan.msk.f32 $0xffff, v12  }
0xe6: {  	v50 =	vsub.f32 $0.0e+00, v22;
	vm3 =	vne.s32 v18, v15;
	vm9 =	vne.s32 v7, v21;
	[tilespmem:v3+s18+$0x0] =	vst.idx.add.f32.msk vm2, v49  }
0xe7: {  	vm12 =	vlt.u32 v48, $0xC40;
	vm8 =	vmor vm3, vm0;
	[tilespmem:v8+s17+$0x0] =	vst.idx.add.f32.msk vm4, v47;
	v51, _, _ =	vpop (xrf2);
	(xrf2) =	vadd.scan.msk.f32 $0xffff, v14  }
0xe8: {  	vm15 =	vlt.u32 v17, $0xC40;
	vm6 =	vmand vm12, vm8;
	[tilespmem:v3+s19+$0x0] =	vst.idx.add.f32.msk vm2, v51;
	vm2 =	vmor vm9, vm0  }
0xe9: {  	[tilespmem:v8+s18+$0x0] =	vst.idx.add.f32.msk vm4, v50;
	v3 =	vsub.f32 $0.0e+00, v4;
	vm2 =	vmand vm15, vm2;
	(xrf2) =	vadd.scan.msk.f32 $0xffff, v9  }
0xea: {  	v52 =	vsub.s32 v21, v0;
	v53 =	vsub.f32 $0.0e+00, v49;
	[tilespmem:v8+s19+$0x0] =	vst.idx.add.f32.msk vm4, v20  }
0xeb: {  	vm13 =	vlt.u32 v52, $0xC40;
	[tilespmem:v6+s17+$0x0] =	vst.idx.add.f32.msk vm7, v3;
	v3 =	vsub.f32 $0.0e+00, v51  }
0xec: {  	vm14 =	vmand vm9, vm13;
	[tilespmem:v6+s18+$0x0] =	vst.idx.add.f32.msk vm7, v53;
	v54, _, _ =	vpop (xrf2)  }
0xed: {  	vm4 =	vmand vm14, vm1;
	[tilespmem:v6+s19+$0x0] =	vst.idx.add.f32.msk vm7, v3;
	v3 =	vsub.s32 v15, v0;
	v55, _, _ =	vpop (xrf2)  }
0xee: {  	[tilespmem:v48+s17+$0x0] =	vst.idx.add.f32.msk vm6, v54;
	vm15 =	vlt.u32 v3, $0xC40;
	v56, _, _ =	vpop (xrf2)  }
0xef: {  	vm3 =	vmand vm3, vm15;
	v57, _, _ =	vpop (xrf2);
	[tilespmem:v17+s17+$0x0] =	vst.idx.add.f32.msk vm2, v56  }
0xf0: {  	vm3 =	vmand vm3, vm1;
	[tilespmem:v17+s18+$0x0] =	vst.idx.add.f32.msk vm2, v57  }
0xf1: {  	v6 =	vsub.f32 $0.0e+00, v56;
	v58, _, _ =	vpop (xrf2);
	[tilespmem:v17+s19+$0x0] =	vst.idx.add.f32.msk vm2, v55  }
0xf2: {  	[tilespmem:v48+s18+$0x0] =	vst.idx.add.f32.msk vm6, v58  }
0xf3: {  	v59 =	vsub.f32 $0.0e+00, v57;
	v60, _, _ =	vpop (xrf2);
	[tilespmem:v52+s17+$0x0] =	vst.idx.add.f32.msk vm4, v6  }
0xf4: {  	v61 =	vsub.f32 $0.0e+00, v54;
	[tilespmem:v48+s19+$0x0] =	vst.idx.add.f32.msk vm6, v60  }
.Ltmp7:
0xf5: {  	v7 =	vsub.f32 $0.0e+00, v55;
	[tilespmem:v52+s18+$0x0] =	vst.idx.add.f32.msk vm4, v59;
	(pc) =	sbr.rel .LBB2_11-.Ltmp7, $4  }
0xf6: {  	v62 =	vsub.f32 $0.0e+00, v58;
	[tilespmem:v3+s17+$0x0] =	vst.idx.add.f32.msk vm3, v61  }
0xf7: {  	v63 =	vsub.f32 $0.0e+00, v60;
	[tilespmem:v52+s19+$0x0] =	vst.idx.add.f32.msk vm4, v7  }
0xf8: {  	[tilespmem:v3+s18+$0x0] =	vst.idx.add.f32.msk vm3, v62  }
0xf9: {  	[tilespmem:v3+s19+$0x0] =	vst.idx.add.f32.msk vm3, v63  }
.LBB2_12:
0xfa: {  	s4 =	simm.s32 $0x0  }
0xfb: {  	v3 =	vld [tilespmem:s4+$0xC980];
	_ =	sdelay $0x4  }
0xfc: {  	vm2 =	vlt.f32 v3, $0.0e+00;
	vm3 =	vgt.f32 v3, $0.0e+00  }
0xfd: {  	s2 =	simm.s32 $0x10;
	vm3 =	vmor vm3, vm2  }
0xfe: {  	v4 =	vld [tilespmem:s2+$0xC980];
	v5 =	vnsel vm3, $0x3F800000, v3  }
0xff: {  	(erf) = vrcp.f32 v5;
	_ =	sdelay $0x3  }
0x100: {  	vm4 =	vgt.f32 v4, $0.0e+00;
	vm2 =	vlt.f32 v4, $0.0e+00  }
0x101: {  	s1 =	simm.s32 $0x20;
	vm2 =	vmor vm4, vm2  }
0x102: {  	v3 =	vld [tilespmem:s1+$0xC980];
	v5 =	vnsel vm2, $0x3F800000, v4  }
0x103: {  	v4 =	vld [tilespmem:s4+$0xD600];
	(erf) = vrcp.f32 v5  }
0x104: {  	s9 =	simm.s32 $0xC0;
	vm3 =	vmmov vm3;
	v5 =	vld [tilespmem:s4+$0xE280]  }
.LBB2_13:
0x105: {  	p0 =	sne.s32 s9, $0x30C0;
	v6 =	vsel vm3, $0x3F800000, v1;
	v7 =	vpop (erf);
	vm3 =	vmmov vm2  }
0x106: {  	v6 =	vmul.f32 v7, v6  }
0x107: {  	v7 =	vmov v3  }
.Ltmp8:
0x108: {  	v4 =	vmul.f32 v6, v4;
	(pc) =	sbr.rel @p0 .LBB2_13-.Ltmp8, $4  }
0x109: {  	s25 =	sshra.s32 s9, $0x2;
	vm2 =	vlt.f32 v7, $0.0e+00;
	vm4 =	vgt.f32 v7, $0.0e+00;
	v5 =	vmul.f32 v6, v5  }
0x10a: {  	vm2 =	vmor vm4, vm2;
	v3 =	vld [tilespmem:s25+$0xC980];
	[tilespmem:s4+$0xD600] =	vst v4  }
0x10b: {  	v6 =	vnsel vm2, $0x3F800000, v7;
	v4 =	vld [tilespmem:s2+$0xD600];
	[tilespmem:s4+$0xE280] =	vst v5;
	s4 =	smov.u32 s2;
	s2 =	smov.u32 s1;
	s1 =	smov.u32 s25  }
0x10c: {  	s9 =	sadd.s32 $0x40, s9;
	(erf) = vrcp.f32 v6;
	v5 =	vld [tilespmem:s4+$0xE280]  }
0x10d: {  	v6 =	vsel vm3, $0x3F800000, v1;
	v7 =	vpop (erf)  }
0x10e: {  	v6 =	vmul.f32 v7, v6;
	_ =	sdelay $0x1  }
0x10f: {  	v4 =	vmul.f32 v6, v4  }
0x110: {  	vm3 =	vlt.f32 v3, $0.0e+00;
	vm4 =	vgt.f32 v3, $0.0e+00;
	v5 =	vmul.f32 v6, v5  }
0x111: {  	vm3 =	vmor vm4, vm3;
	[tilespmem:s4+$0xD600] =	vst v4  }
0x112: {  	v3 =	vnsel vm3, $0x3F800000, v3;
	v4 =	vld [tilespmem:s2+$0xD600];
	[tilespmem:s4+$0xE280] =	vst v5  }
0x113: {  	vm2 =	vmmov vm2;
	(erf) = vrcp.f32 v3;
	v3 =	vld [tilespmem:s2+$0xE280]  }
0x114: {  	v60 =	vsel vm2, $0x3F800000, v1;
	v61 =	vpop (erf)  }
0x115: {  	v5 =	vmul.f32 v61, v60;
	_ =	sdelay $0x1  }
0x116: {  	v4 =	vmul.f32 v5, v4  }
0x117: {  	v3 =	vmul.f32 v5, v3  }
0x118: {  	[tilespmem:s2+$0xD600] =	vst v4  }
0x119: {  	v4 =	vld [tilespmem:s1+$0xD600];
	[tilespmem:s2+$0xE280] =	vst v3  }
0x11a: {  	vm2 =	vmmov vm3;
	v3 =	vld [tilespmem:s1+$0xE280]  }
0x11b: {  	v62 =	vsel vm2, $0x3F800000, v1;
	v63 =	vpop (erf)  }
0x11c: {  	v5 =	vmul.f32 v63, v62;
	_ =	sdelay $0x1  }
0x11d: {  	v4 =	vmul.f32 v5, v4  }
0x11e: {  	v3 =	vmul.f32 v5, v3  }
0x11f: {  	[tilespmem:s1+$0xD600] =	vst v4  }
0x120: {  	s31 =	rddreg [dreg:$0x5];
	[tilespmem:s1+$0xE280] =	vst v3  }
0x121: {  	[hbm4b:s31+s6] =	stream.linear.scatter [tilespmem:s18], [sflag:$0x9], $0xC40, $0x38;
	[tilespmem:$0xEF00] =	vst v63  }
0x122: {  	s24 =	sadd.s32 $0x1, s24;
	_ =	swait.ge [sflag:s12], $0xC40  }
0x123: {  	p0 =	sne.s32 s24, s11;
	[sflag:s12] =	ssyncset.done $0x0  }
.Ltmp9:
0x124: {  	[sflag:s12] =	ssyncadd.s32 $0xFFFFF3C0;
	(pc) =	sbr.rel @p0 .LBB2_1-.Ltmp9, $4  }
0x125: {  	[hbm4b:s10+s6] =	stream.linear.scatter [tilespmem:s19], [sflag:$0x9], $0xC40, $0x38;
	[tilespmem:$0xEF00] =	vst v63  }
0x126: {  	_ =	swait.ge [sflag:s12], $0xC40  }
0x127: {  	[sflag:s12] =	ssyncset.done $0x0  }
0x128: {  	[sflag:s12] =	ssyncadd.s32 $0xFFFFF3C0  }
0x129: {  	_ =	sfence.sel $0x180000  }
0x12a: {  	[bflag:$0x0] =	sbarrier.arrive $0xFFFF  }
0x12b: {  	_ =	strace $0x90000047  }
0x12c: {  	s0 =	stileid.u32;
	[bflag:$0x2] =	sbarrier.arrive $0xFFFF  }
0x12d: {  	p0 =	sne.s32 s0, $0x0;
	s0 =	rddreg [dreg:$0x4]  }
0x12e: {  	s0 =	sadd.s32 @!p0 $0x100000, s0  }
0x12f: {  	[sflag:s0] =	ssyncadd.tile.s32 @!p0 $0x1;
	_ =	shalt  }
.Lfunc_end2:
_tile_overlayer_lowered:
.L_overlay_start_2:
0x130: {  	(tag) =	ssettag $0x2  }
0x131: {  	s0 =	rddreg [dreg:$0x0];
	s2 =	stileid.u32  }
0x132: {  	s1 =	rddreg [dreg:$0x1];
	p0 =	sne.s32 s2, $0x0  }
0x133: {  	s3 =	rddreg [dreg:$0x2];
	[bflag:$0x3] =	sbarrier.arrive $0xFFFF;
	s2 =	simm.s32 @!p0 $0x1C09  }
0x134: {  	[timem:s3], [sflag:s2] =	dma.local @!p0 [hbm:s0], s1  }
0x135: {  	s0 =	simm.s32 @!p0 $0x9  }
0x136: {  	_ =	swait.ge @!p0 [sflag:s0], s1  }
0x137: {  	s1 =	ssub.s32 @!p0 $0x0, s1;
	[sflag:s0] =	ssyncset.done @!p0 $0x0  }
0x138: {  	[sflag:s0] =	ssyncadd.s32 @!p0 s1  }
0x139: {  	[bflag:$0x3] =	sbarrier.arrive $0xFFFF  }
0x13a: {  	_ =	shalt  }

</sc_bundles>
